<compile_context>
chip_gen: v7x
topology: tpu7x:2x2x1
jax: 0.10.2.dev20260603
libtpu: 0.0.44.dev20260713+nightly
codegen_flags: <defaults>
</compile_context>

<pallas_src>
import jax
import jax.numpy as jnp
from jax import lax
from jax.experimental import pallas as pl
from jax.experimental.pallas import tpu as pltpu
from jax.experimental.pallas import tpu_sc as plsc

NC = 2
NS = 16
C = 128
SHARE0 = 0.95


def _sc_hop(table, packed, zacc, *, np_, epad):
    d = table.shape[1]
    nch_all = epad // (NS * C)
    k0 = 2 * (int(nch_all * SHARE0) // 2)
    k1 = nch_all - k0
    zr = np_ // NS
    mesh = plsc.VectorSubcoreMesh(core_axis_name="c", subcore_axis_name="s")

    def body(table_hbm, packed_hbm, zacc_hbm, out_hbm, acc_sh,
             idx0, idx1, sidx0, sidx1, rows0, rows1, gsem0, gsem1):
        c = lax.axis_index("c")
        s = lax.axis_index("s")
        idx = (idx0, idx1)
        sidx = (sidx0, sidx1)
        rows = (rows0, rows1)
        gsem = (gsem0, gsem1)

        pltpu.sync_copy(zacc_hbm.at[pl.ds(s * zr, zr)],
                        acc_sh.at[pl.ds(s * zr, zr)])
        plsc.subcore_barrier()

        nch = jnp.where(c == 0, k0, k1)
        base = (c * NS * k0 + s * nch) * C

        def stage_in(k, b):
            pltpu.sync_copy(packed_hbm.at[pl.ds((base + k * C) * 2, 2 * C)],
                            idx[b])

            def cp(i, carry):
                sidx[b][pl.ds(i * 16, 16)] = idx[b][pl.ds(C + i * 16, 16)]
                return carry

            lax.fori_loop(0, C // 16, cp, 0)
            pltpu.async_copy(table_hbm.at[idx[b].at[pl.ds(0, C)]],
                             rows[b], gsem[b])

        def drain(b):
            pltpu.make_async_copy(table_hbm.at[idx[b].at[pl.ds(0, C)]],
                                  rows[b], gsem[b]).wait()
            pltpu.sync_copy(rows[b], acc_sh.at[sidx[b]], add=True)

        stage_in(0, 0)
        P = nch // 2

        def step(p, carry):
            for b in (0, 1):
                if b == 0:
                    stage_in(2 * p + 1, 1)
                    drain(0)
                else:
                    @pl.when(p < P - 1)
                    def _():
                        stage_in(2 * p + 2, 0)
                    drain(1)
            return carry

        lax.fori_loop(0, P, step, 0)
        plsc.subcore_barrier()

        pltpu.sync_copy(acc_sh.at[pl.ds(s * zr, zr)],
                        out_hbm.at[c, pl.ds(s * zr, zr)])

    f32 = jnp.float32
    kern = pl.kernel(
        body,
        out_type=jax.ShapeDtypeStruct((NC, np_, d), f32),
        mesh=mesh,
        scratch_types=[
            pltpu.VMEM_SHARED((np_, d), f32),
            pltpu.VMEM((2 * C,), jnp.int32),
            pltpu.VMEM((2 * C,), jnp.int32),
            pltpu.VMEM((C,), jnp.int32),
            pltpu.VMEM((C,), jnp.int32),
            pltpu.VMEM((C, d), f32),
            pltpu.VMEM((C, d), f32),
            pltpu.SemaphoreType.DMA,
            pltpu.SemaphoreType.DMA,
        ],
    )
    return kern(table, packed, zacc)


def _tc_pre(bn, x, Wh):
    n, d = x.shape

    def body(x_ref, Wh_ref, out_ref):
        out_ref[...] = jnp.dot(x_ref[...], Wh_ref[...],
                               preferred_element_type=jnp.float32)

    return pl.pallas_call(
        body,
        grid=(n // bn,),
        in_specs=[
            pl.BlockSpec((bn, d), lambda i: (i, 0)),
            pl.BlockSpec((d, d), lambda i: (0, 0)),
        ],
        out_specs=pl.BlockSpec((bn, d), lambda i: (i, 0)),
        out_shape=jax.ShapeDtypeStruct((n, d), jnp.float32),
    )(x, Wh)


def _tc_combine(bn, zp, ones_col):
    _, np_, d = zp.shape
    h = d // 2

    def body(zp_ref, ones_ref, t2_ref, zh_ref):
        zsum = zp_ref[0] + zp_ref[1]
        t2_ref[...] = jnp.concatenate(
            [zsum[:, h:], ones_ref[...],
             jnp.zeros((bn, d - h - 1), jnp.float32)], axis=1)
        zh_ref[...] = zsum[:, 0:h]

    return pl.pallas_call(
        body,
        grid=(np_ // bn,),
        in_specs=[
            pl.BlockSpec((NC, bn, d), lambda i: (0, i, 0)),
            pl.BlockSpec((bn, 1), lambda i: (i, 0)),
        ],
        out_specs=[
            pl.BlockSpec((bn, d), lambda i: (i, 0)),
            pl.BlockSpec((bn, h), lambda i: (i, 0)),
        ],
        out_shape=[
            jax.ShapeDtypeStruct((np_, d), jnp.float32),
            jax.ShapeDtypeStruct((np_, h), jnp.float32),
        ],
    )(zp, ones_col)


def _tc_final(bn, x, zh, wp, esel, WeT, be, b0, b1, WcT, bc):
    n, d = x.shape
    o = WcT.shape[1]
    h = WeT.shape[1]

    def body(x_ref, zh_ref, wp_ref, esel_ref, WeT_ref, be_ref, b0_ref,
             b1_ref, WcT_ref, bc_ref, out_ref):
        he = jax.nn.relu(
            jnp.dot(x_ref[...], WeT_ref[...],
                    preferred_element_type=jnp.float32) + be_ref[...])
        wv = wp_ref[0] + wp_ref[1]
        deg = jnp.dot(wv, esel_ref[...], preferred_element_type=jnp.float32)
        dinv = 1.0 / jnp.maximum(deg, 1.0)
        h1 = jax.nn.relu(zh_ref[...] * dinv + b0_ref[...])
        h2 = jax.nn.relu(wv[:, 0:h] * (dinv * dinv) + b1_ref[...])
        wc = WcT_ref[...]
        out = (jnp.dot(he, wc[0:h], preferred_element_type=jnp.float32)
               + jnp.dot(h1, wc[h:2 * h], preferred_element_type=jnp.float32)
               + jnp.dot(h2, wc[2 * h:3 * h], preferred_element_type=jnp.float32)
               + bc_ref[...])
        out_ref[...] = out

    full = lambda shape: pl.BlockSpec(shape, lambda i: (0,) * len(shape))
    return pl.pallas_call(
        body,
        grid=(n // bn,),
        in_specs=[
            pl.BlockSpec((bn, d), lambda i: (i, 0)),
            pl.BlockSpec((bn, h), lambda i: (i, 0)),
            pl.BlockSpec((NC, bn, d), lambda i: (0, i, 0)),
            full((d, 1)),
            full((d, h)), full((1, h)),
            full((1, h)), full((1, h)),
            full((3 * h, o)), full((1, o)),
        ],
        out_specs=pl.BlockSpec((bn, o), lambda i: (i, 0)),
        out_shape=jax.ShapeDtypeStruct((n, o), jnp.float32),
    )(x, zh, wp, esel, WeT, be, b0, b1, WcT, bc)


def kernel(x, edge_index, W_ego, b_ego, W_hop0, b_hop0, W_hop1, b_hop1,
           W_cls, b_cls):
    n, d = x.shape
    e = edge_index.shape[1]
    h = W_ego.shape[0]
    np_ = -(-(n + 1) // (NS * 8)) * (NS * 8)
    per_tile = -(-e // (NC * NS * 2 * C)) * 2 * C
    epad = NC * NS * per_tile

    src = edge_index[0].astype(jnp.int32)
    dst = edge_index[1].astype(jnp.int32)
    if epad > e:
        fill = jnp.full((epad - e,), n, dtype=jnp.int32)
        src = jnp.concatenate([src, fill])
        dst = jnp.concatenate([dst, fill])
    packed = jnp.stack([dst.reshape(-1, C), src.reshape(-1, C)],
                       axis=1).reshape(-1)

    zacc = jnp.zeros((np_, d), jnp.float32)

    Wh = jnp.concatenate([W_hop0.T, W_hop1.T], axis=1)
    y1 = _tc_pre(1000, x, Wh)
    y1p = jnp.concatenate([y1, jnp.zeros((np_ - n, d), jnp.float32)], axis=0)

    zp = _sc_hop(y1p, packed, zacc, np_=np_, epad=epad)
    ones_col = jnp.ones((np_, 1), jnp.float32)
    t2, zh = _tc_combine(1264, zp, ones_col)
    wp = _sc_hop(t2, packed, zacc, np_=np_, epad=epad)

    esel = jnp.zeros((d, 1), jnp.float32).at[h, 0].set(1.0)
    return _tc_final(1000, x, zh, wp, esel,
                     W_ego.T, b_ego[None, :], b_hop0[None, :],
                     b_hop1[None, :], W_cls.T, b_cls[None, :])

# --- scband reference (transcript-rebuilt; emitter-appended) ---
"""Pipeline reference for scband-h2-gcn-5342939316785 (READ-ONLY COPY).

The authoritative reference and input builder live on the scoring server;
editing this copy changes nothing except your own understanding.
"""

import jax, jax.numpy as jnp
import numpy as np

N = 10000
E = 320000
D = 128
H = 64
O = 2


def setup_inputs(seed: int = 0) -> dict:
    key = jax.random.key(seed)
    ks = jax.random.split(key, 12)
    x = jax.random.normal(ks[0], (N, D), dtype=jnp.float32)
    edge_index = jax.random.randint(ks[1], (2, E), 0, N)
    # Learned parameters (PyTorch nn.Linear layout: W[out, in], b[out])
    s_d = 1.0 / np.sqrt(D)
    s_h = 1.0 / np.sqrt(H * 3)
    W_ego = jax.random.uniform(ks[2], (H, D), dtype=jnp.float32, minval=-s_d, maxval=s_d)
    b_ego = jax.random.uniform(ks[3], (H,), dtype=jnp.float32, minval=-s_d, maxval=s_d)
    W_hop0 = jax.random.uniform(ks[4], (H, D), dtype=jnp.float32, minval=-s_d, maxval=s_d)
    b_hop0 = jax.random.uniform(ks[5], (H,), dtype=jnp.float32, minval=-s_d, maxval=s_d)
    W_hop1 = jax.random.uniform(ks[6], (H, D), dtype=jnp.float32, minval=-s_d, maxval=s_d)
    b_hop1 = jax.random.uniform(ks[7], (H,), dtype=jnp.float32, minval=-s_d, maxval=s_d)
    W_cls = jax.random.uniform(ks[8], (O, H * 3), dtype=jnp.float32, minval=-s_h, maxval=s_h)
    b_cls = jax.random.uniform(ks[9], (O,), dtype=jnp.float32, minval=-s_h, maxval=s_h)
    return {"x": x, "edge_index": edge_index, "W_ego": W_ego, "b_ego": b_ego,
            "W_hop0": W_hop0, "b_hop0": b_hop0, "W_hop1": W_hop1, "b_hop1": b_hop1,
            "W_cls": W_cls, "b_cls": b_cls}


def reference(x, edge_index, W_ego, b_ego, W_hop0, b_hop0, W_hop1, b_hop1, W_cls, b_cls):
    # Eval mode: dropout is identity.
    src = edge_index[0]
    dst = edge_index[1]
    n = x.shape[0]
    # degree over source nodes (row indices of the sparse adj)
    deg = jax.ops.segment_sum(jnp.ones((E,), dtype=x.dtype), src, num_segments=n)
    deg = jnp.clip(deg, 1.0, None)
    deg_inv = 1.0 / deg
    # ego transform
    h_ego = jax.nn.relu(x @ W_ego.T + b_ego)
    # 1-hop: sparse.mm(adj, x) -> out[i] = sum_{edges (i,j)} x[j]
    ax = jax.ops.segment_sum(x[dst], src, num_segments=n)
    h_1hop = ax * deg_inv[:, None]
    h_1hop = jax.nn.relu(h_1hop @ W_hop0.T + b_hop0)
    # 2-hop: adj @ (adj @ x)
    aax = jax.ops.segment_sum(ax[dst], src, num_segments=n)
    h_2hop = aax * (deg_inv ** 2)[:, None]
    h_2hop = jax.nn.relu(h_2hop @ W_hop1.T + b_hop1)
    h_combined = jnp.concatenate([h_ego, h_1hop, h_2hop], axis=1)
    return h_combined @ W_cls.T + b_cls

if __name__ == "__main__":
    import jax
    _d = setup_inputs()
    print(jax.jit(kernel)(*tuple(_d.values())))

</pallas_src>

<mosaic_0001>
#map = affine_map<(d0, d1) -> (0, 0)>
#map1 = affine_map<(d0, d1) -> (0)>
#map2 = affine_map<(d0, d1) -> (0, 0, 0)>
module attributes {stable_mosaic.version = 14 : i64} {
  func.func @body(%arg0: i32, %arg1: i32, %arg2: memref<10112x128xf32, #tpu.memory_space<hbm>>, %arg3: memref<655360xi32, #tpu.memory_space<hbm>>, %arg4: memref<10112x128xf32, #tpu.memory_space<hbm>>, %arg5: memref<2x10112x128xf32, #tpu.memory_space<hbm>>, %arg6: memref<10112x128xf32, #tpu.memory_space<vmem_shared>>, %arg7: memref<256xi32, #tpu.memory_space<vmem>>, %arg8: memref<256xi32, #tpu.memory_space<vmem>>, %arg9: memref<128xi32, #tpu.memory_space<vmem>>, %arg10: memref<128xi32, #tpu.memory_space<vmem>>, %arg11: memref<128x128xf32, #tpu.memory_space<vmem>>, %arg12: memref<128x128xf32, #tpu.memory_space<vmem>>, %arg13: memref<!tpu.dma_semaphore, #tpu.memory_space<semaphore_mem>>, %arg14: memref<!tpu.dma_semaphore, #tpu.memory_space<semaphore_mem>>) attributes {dimension_semantics = [#tpu.dimension_semantics<core_parallel>, #tpu.dimension_semantics<subcore_parallel>], iteration_bounds = array<i64: 2, 16>, scalar_prefetch = 0 : i64, scratch_operands = 9 : i64, tpu.core_type = #tpu.core_type<sc_vector_subcore>, window_params = [{transform_indices = #map}, {transform_indices = #map1}, {transform_indices = #map}, {transform_indices = #map2}]} {
    %mul3A = arith.constant 632 : i32
    %mul3A_0 = arith.muli %arg1, %mul3A : i32
    %mul3A_1 = arith.constant 632 : i32
    %mul3A_2 = arith.muli %arg1, %mul3A_1 : i32
    "tpu.region"() ({
      %run_scoped3A = tpu.sem_alloc : memref<!tpu.dma_semaphore, #tpu.memory_space<semaphore_mem>>
      %dma_start3A_57 = arith.constant 0 : i32
      %dma_start3A_58 = tpu.memref_slice %arg6[%mul3A_2, %dma_start3A_57] : memref<10112x128xf32, #tpu.memory_space<vmem_shared>> -> memref<632x128xf32, #tpu.memory_space<vmem_shared>>
      %dma_start3A_59 = arith.constant 0 : i32
      %dma_start3A_60 = tpu.memref_slice %arg4[%mul3A_0, %dma_start3A_59] : memref<10112x128xf32, #tpu.memory_space<hbm>> -> memref<632x128xf32, #tpu.memory_space<hbm>>
      tpu.enqueue_dma source(%dma_start3A_60 : memref<632x128xf32, #tpu.memory_space<hbm>>) target(%dma_start3A_58 : memref<632x128xf32, #tpu.memory_space<vmem_shared>>) target_semaphore(%run_scoped3A : memref<!tpu.dma_semaphore, #tpu.memory_space<semaphore_mem>>)
      %dma_wait3A = arith.constant 0 : i32
      %dma_wait3A_61 = tpu.memref_slice %arg6[%mul3A_2, %dma_wait3A] : memref<10112x128xf32, #tpu.memory_space<vmem_shared>> -> memref<632x128xf32, #tpu.memory_space<vmem_shared>>
      %dma_wait3A_62 = arith.constant 0 : i32
      %dma_wait3A_63 = tpu.memref_slice %arg4[%mul3A_0, %dma_wait3A_62] : memref<10112x128xf32, #tpu.memory_space<hbm>> -> memref<632x128xf32, #tpu.memory_space<hbm>>
      tpu.wait_dma2 semaphore(%run_scoped3A : memref<!tpu.dma_semaphore, #tpu.memory_space<semaphore_mem>>) src(%dma_wait3A_63 : memref<632x128xf32, #tpu.memory_space<hbm>>) dst(%dma_wait3A_61 : memref<632x128xf32, #tpu.memory_space<vmem_shared>>)
      tpu.yield
    }) : () -> ()
    %barrier3A = arith.constant 0 : index
    tpu.barrier barrier_id(%barrier3A)
    %eq3A = arith.constant 0 : i32
    %eq3A_3 = arith.cmpi eq, %arg0, %eq3A : i32
    %jit3A = arith.constant 152 : i32
    %jit3A_4 = arith.constant 8 : i32
    %select_n3A = arith.select %eq3A_3, %jit3A, %jit3A_4 : i32
    %mul3A_5 = arith.constant 16 : i32
    %mul3A_6 = arith.muli %arg0, %mul3A_5 : i32
    %mul3A_7 = arith.constant 152 : i32
    %mul3A_8 = arith.muli %mul3A_6, %mul3A_7 : i32
    %mul3A_9 = arith.muli %arg1, %select_n3A : i32
    %add3A = arith.addi %mul3A_8, %mul3A_9 : i32
    %mul3A_10 = arith.constant 128 : i32
    %mul3A_11 = arith.muli %add3A, %mul3A_10 : i32
    %add3A_12 = arith.constant 0 : i32
    %add3A_13 = arith.addi %mul3A_11, %add3A_12 : i32
    %mul3A_14 = arith.constant 2 : i32
    %mul3A_15 = arith.muli %add3A_13, %mul3A_14 : i32
    "tpu.region"() ({
      %run_scoped3A = tpu.sem_alloc : memref<!tpu.dma_semaphore, #tpu.memory_space<semaphore_mem>>
      %dma_start3A_57 = tpu.memref_slice %arg3[%mul3A_15] : memref<655360xi32, #tpu.memory_space<hbm>> -> memref<256xi32, #tpu.memory_space<hbm>>
      %dma_start3A_58 = tpu.memref_slice %arg3[%mul3A_15] : memref<655360xi32, #tpu.memory_space<hbm>> -> memref<256xi32, #tpu.memory_space<hbm>>
      tpu.enqueue_dma source(%dma_start3A_58 : memref<256xi32, #tpu.memory_space<hbm>>) target(%arg7 : memref<256xi32, #tpu.memory_space<vmem>>) target_semaphore(%run_scoped3A : memref<!tpu.dma_semaphore, #tpu.memory_space<semaphore_mem>>)
      %dma_wait3A = tpu.memref_slice %arg3[%mul3A_15] : memref<655360xi32, #tpu.memory_space<hbm>> -> memref<256xi32, #tpu.memory_space<hbm>>
      %dma_wait3A_59 = tpu.memref_slice %arg3[%mul3A_15] : memref<655360xi32, #tpu.memory_space<hbm>> -> memref<256xi32, #tpu.memory_space<hbm>>
      tpu.wait_dma2 semaphore(%run_scoped3A : memref<!tpu.dma_semaphore, #tpu.memory_space<semaphore_mem>>) src(%dma_wait3A_59 : memref<256xi32, #tpu.memory_space<hbm>>) dst(%arg7 : memref<256xi32, #tpu.memory_space<vmem>>)
      tpu.yield
    }) : () -> ()
    %scan3A = arith.constant 0 : i32
    %scan3A_16 = arith.constant 0 : i32
    %scan3A_17 = arith.constant 8 : i32
    %scan3A_18 = arith.addi %scan3A_16, %scan3A_17 : i32
    %scan3A_19 = arith.constant 1 : i32
    scf.for %scan3A_57 = %scan3A_16 to %scan3A_18 step %scan3A_19  : i32 {
      %mul3A_58 = arith.constant 16 : i32
      %mul3A_59 = arith.muli %scan3A_57, %mul3A_58 : i32
      %add3A_60 = arith.constant 128 : i32
      %add3A_61 = arith.addi %add3A_60, %mul3A_59 : i32
      %get3A = arith.index_cast %add3A_61 : i32 to index
      %get3A_62 = tpu.vector_load %arg7[%get3A] {strides = array<i32>} : memref<256xi32, #tpu.memory_space<vmem>>, vector<16xi32>,
      %get3A_63 = vector.shape_cast %get3A_62 : vector<16xi32> to vector<16xi32>
      %mul3A_64 = arith.constant 16 : i32
      %mul3A_65 = arith.muli %scan3A_57, %mul3A_64 : i32
      %swap3A = arith.index_cast %mul3A_65 : i32 to index
      %swap3A_66 = tpu.vector_load %arg9[%swap3A] {strides = array<i32>} : memref<128xi32, #tpu.memory_space<vmem>>, vector<16xi32>,
      %swap3A_67 = vector.shape_cast %swap3A_66 : vector<16xi32> to vector<16xi32>
      %swap3A_68 = vector.shape_cast %get3A_63 : vector<16xi32> to vector<16xi32>
      tpu.vector_store %arg9[%swap3A], %swap3A_68 {strides = array<i32>} : memref<128xi32, #tpu.memory_space<vmem>>, vector<16xi32>,
    }
    %scan3A_20 = arith.constant 8 : i32
    %dma_start3A = arith.constant 0 : i32
    %dma_start3A_21 = tpu.memref_slice %arg7[%dma_start3A] : memref<256xi32, #tpu.memory_space<vmem>> -> memref<128xi32, #tpu.memory_space<vmem>>
    %dma_start3A_22 = arith.constant 0 : i32
    %dma_start3A_23 = arith.constant 0 : i32
    %dma_start3A_24 = tpu.memref_slice %arg2[%dma_start3A_22, %dma_start3A_23] : memref<10112x128xf32, #tpu.memory_space<hbm>> -> memref<10112x128xf32, #tpu.memory_space<hbm>>
    tpu.enqueue_indirect_dma source(%dma_start3A_24 : memref<10112x128xf32, #tpu.memory_space<hbm>>) target(%arg11 : memref<128x128xf32, #tpu.memory_space<vmem>>) offsets(%dma_start3A_21 : memref<128xi32, #tpu.memory_space<vmem>>) semaphore(%arg13 : memref<!tpu.dma_semaphore, #tpu.memory_space<semaphore_mem>>)
    %jit3A_25 = arith.constant 2 : i32
    %div3A = arith.divsi %select_n3A, %jit3A_25 : i32
    %sign3A = arith.constant 0 : i32
    %sign3A_26 = arith.cmpi sgt, %select_n3A, %sign3A : i32
    %sign3A_27 = arith.extui %sign3A_26 : i1 to i32
    %sign3A_28 = arith.constant 0 : i32
    %sign3A_29 = arith.cmpi slt, %select_n3A, %sign3A_28 : i32
    %sign3A_30 = arith.extui %sign3A_29 : i1 to i32
    %sign3A_31 = arith.subi %sign3A_27, %sign3A_30 : i32
    %sign3A_32 = arith.constant 0 : i32
    %sign3A_33 = arith.cmpi sgt, %jit3A_25, %sign3A_32 : i32
    %sign3A_34 = arith.extui %sign3A_33 : i1 to i32
    %sign3A_35 = arith.constant 0 : i32
    %sign3A_36 = arith.cmpi slt, %jit3A_25, %sign3A_35 : i32
    %sign3A_37 = arith.extui %sign3A_36 : i1 to i32
    %sign3A_38 = arith.subi %sign3A_34, %sign3A_37 : i32
    %ne3A = arith.cmpi ne, %sign3A_31, %sign3A_38 : i32
    %rem3A = arith.remsi %select_n3A, %jit3A_25 : i32
    %ne3A_39 = arith.constant 0 : i32
    %ne3A_40 = arith.cmpi ne, %rem3A, %ne3A_39 : i32
    %and3A = arith.andi %ne3A, %ne3A_40 : i1
    %sub3A = arith.constant 1 : i32
    %sub3A_41 = arith.subi %div3A, %sub3A : i32
    %select_n3A_42 = arith.select %and3A, %sub3A_41, %div3A : i32
    %while3A = arith.constant 0 : i32
    %while3A_43 = arith.constant 0 : i32
    %while3A_44 = arith.subi %select_n3A_42, %while3A_43 : i32
    %while3A_45 = arith.addi %while3A_43, %while3A_44 : i32
    %while3A_46 = arith.constant 1 : i32
    %while3A_47 = arith.divsi %while3A_44, %while3A_46 : i32
    %while3A_48 = arith.muli %while3A_47, %while3A_46 : i32
    %while3A_49 = arith.addi %while3A_43, %while3A_48 : i32
    %while3A_50 = arith.constant 1 : i32
    scf.for %while3A_57 = %while3A_43 to %while3A_49 step %while3A_50  : i32 {
      %mul3A_58 = arith.constant 2 : i32
      %mul3A_59 = arith.muli %mul3A_58, %while3A_57 : i32
      %add3A_60 = arith.constant 1 : i32
      %add3A_61 = arith.addi %mul3A_59, %add3A_60 : i32
      %mul3A_62 = arith.constant 128 : i32
      %mul3A_63 = arith.muli %add3A_61, %mul3A_62 : i32
      %add3A_64 = arith.addi %mul3A_11, %mul3A_63 : i32
      %mul3A_65 = arith.constant 2 : i32
      %mul3A_66 = arith.muli %add3A_64, %mul3A_65 : i32
      "tpu.region"() ({
        %run_scoped3A = tpu.sem_alloc : memref<!tpu.dma_semaphore, #tpu.memory_space<semaphore_mem>>
        %dma_start3A_90 = tpu.memref_slice %arg3[%mul3A_66] : memref<655360xi32, #tpu.memory_space<hbm>> -> memref<256xi32, #tpu.memory_space<hbm>>
        %dma_start3A_91 = tpu.memref_slice %arg3[%mul3A_66] : memref<655360xi32, #tpu.memory_space<hbm>> -> memref<256xi32, #tpu.memory_space<hbm>>
        tpu.enqueue_dma source(%dma_start3A_91 : memref<256xi32, #tpu.memory_space<hbm>>) target(%arg8 : memref<256xi32, #tpu.memory_space<vmem>>) target_semaphore(%run_scoped3A : memref<!tpu.dma_semaphore, #tpu.memory_space<semaphore_mem>>)
        %dma_wait3A_92 = tpu.memref_slice %arg3[%mul3A_66] : memref<655360xi32, #tpu.memory_space<hbm>> -> memref<256xi32, #tpu.memory_space<hbm>>
        %dma_wait3A_93 = tpu.memref_slice %arg3[%mul3A_66] : memref<655360xi32, #tpu.memory_space<hbm>> -> memref<256xi32, #tpu.memory_space<hbm>>
        tpu.wait_dma2 semaphore(%run_scoped3A : memref<!tpu.dma_semaphore, #tpu.memory_space<semaphore_mem>>) src(%dma_wait3A_93 : memref<256xi32, #tpu.memory_space<hbm>>) dst(%arg8 : memref<256xi32, #tpu.memory_space<vmem>>)
        tpu.yield
      }) : () -> ()
      %scan3A_67 = arith.constant 0 : i32
      %scan3A_68 = arith.constant 0 : i32
      %scan3A_69 = arith.constant 8 : i32
      %scan3A_70 = arith.addi %scan3A_68, %scan3A_69 : i32
      %scan3A_71 = arith.constant 1 : i32
      scf.for %scan3A_90 = %scan3A_68 to %scan3A_70 step %scan3A_71  : i32 {
        %mul3A_91 = arith.constant 16 : i32
        %mul3A_92 = arith.muli %scan3A_90, %mul3A_91 : i32
        %add3A_93 = arith.constant 128 : i32
        %add3A_94 = arith.addi %add3A_93, %mul3A_92 : i32
        %get3A = arith.index_cast %add3A_94 : i32 to index
        %get3A_95 = tpu.vector_load %arg8[%get3A] {strides = array<i32>} : memref<256xi32, #tpu.memory_space<vmem>>, vector<16xi32>,
        %get3A_96 = vector.shape_cast %get3A_95 : vector<16xi32> to vector<16xi32>
        %mul3A_97 = arith.constant 16 : i32
        %mul3A_98 = arith.muli %scan3A_90, %mul3A_97 : i32
        %swap3A = arith.index_cast %mul3A_98 : i32 to index
        %swap3A_99 = tpu.vector_load %arg10[%swap3A] {strides = array<i32>} : memref<128xi32, #tpu.memory_space<vmem>>, vector<16xi32>,
        %swap3A_100 = vector.shape_cast %swap3A_99 : vector<16xi32> to vector<16xi32>
        %swap3A_101 = vector.shape_cast %get3A_96 : vector<16xi32> to vector<16xi32>
        tpu.vector_store %arg10[%swap3A], %swap3A_101 {strides = array<i32>} : memref<128xi32, #tpu.memory_space<vmem>>, vector<16xi32>,
      }
      %scan3A_72 = arith.constant 8 : i32
      %dma_start3A_73 = arith.constant 0 : i32
      %dma_start3A_74 = tpu.memref_slice %arg8[%dma_start3A_73] : memref<256xi32, #tpu.memory_space<vmem>> -> memref<128xi32, #tpu.memory_space<vmem>>
      %dma_start3A_75 = arith.constant 0 : i32
      %dma_start3A_76 = arith.constant 0 : i32
      %dma_start3A_77 = tpu.memref_slice %arg2[%dma_start3A_75, %dma_start3A_76] : memref<10112x128xf32, #tpu.memory_space<hbm>> -> memref<10112x128xf32, #tpu.memory_space<hbm>>
      tpu.enqueue_indirect_dma source(%dma_start3A_77 : memref<10112x128xf32, #tpu.memory_space<hbm>>) target(%arg12 : memref<128x128xf32, #tpu.memory_space<vmem>>) offsets(%dma_start3A_74 : memref<128xi32, #tpu.memory_space<vmem>>) semaphore(%arg14 : memref<!tpu.dma_semaphore, #tpu.memory_space<semaphore_mem>>)
      %dma_wait3A = arith.constant 0 : i32
      %dma_wait3A_78 = tpu.memref_slice %arg7[%dma_wait3A] : memref<256xi32, #tpu.memory_space<vmem>> -> memref<128xi32, #tpu.memory_space<vmem>>
      %dma_wait3A_79 = arith.constant 0 : i32
      %dma_wait3A_80 = arith.constant 0 : i32
      %dma_wait3A_81 = tpu.memref_slice %arg2[%dma_wait3A_79, %dma_wait3A_80] : memref<10112x128xf32, #tpu.memory_space<hbm>> -> memref<10112x128xf32, #tpu.memory_space<hbm>>
      tpu.wait_indirect_dma semaphore(%arg13 : memref<!tpu.dma_semaphore, #tpu.memory_space<semaphore_mem>>) src(%dma_wait3A_81 : memref<10112x128xf32, #tpu.memory_space<hbm>>) dst(%arg11 : memref<128x128xf32, #tpu.memory_space<vmem>>)
      "tpu.region"() ({
        %run_scoped3A = tpu.sem_alloc : memref<!tpu.dma_semaphore, #tpu.memory_space<semaphore_mem>>
        %dma_start3A_90 = arith.constant 0 : i32
        %dma_start3A_91 = arith.constant 0 : i32
        %dma_start3A_92 = tpu.memref_slice %arg6[%dma_start3A_90, %dma_start3A_91] : memref<10112x128xf32, #tpu.memory_space<vmem_shared>> -> memref<10112x128xf32, #tpu.memory_space<vmem_shared>>
        tpu.enqueue_indirect_dma source(%arg11 : memref<128x128xf32, #tpu.memory_space<vmem>>) target(%dma_start3A_92 : memref<10112x128xf32, #tpu.memory_space<vmem_shared>>) offsets(%arg9 : memref<128xi32, #tpu.memory_space<vmem>>) semaphore(%run_scoped3A : memref<!tpu.dma_semaphore, #tpu.memory_space<semaphore_mem>>) {add = true}
        %dma_wait3A_93 = arith.constant 0 : i32
        %dma_wait3A_94 = arith.constant 0 : i32
        %dma_wait3A_95 = tpu.memref_slice %arg6[%dma_wait3A_93, %dma_wait3A_94] : memref<10112x128xf32, #tpu.memory_space<vmem_shared>> -> memref<10112x128xf32, #tpu.memory_space<vmem_shared>>
        tpu.wait_indirect_dma semaphore(%run_scoped3A : memref<!tpu.dma_semaphore, #tpu.memory_space<semaphore_mem>>) src(%arg11 : memref<128x128xf32, #tpu.memory_space<vmem>>) dst(%dma_wait3A_95 : memref<10112x128xf32, #tpu.memory_space<vmem_shared>>)
        tpu.yield
      }) : () -> ()
      %sub3A_82 = arith.constant 1 : i32
      %sub3A_83 = arith.subi %select_n3A_42, %sub3A_82 : i32
      %lt3A = arith.cmpi slt, %while3A_57, %sub3A_83 : i32
      %convert_element_type3A = arith.extui %lt3A : i1 to i32
      %cond3A = arith.constant 0 : i32
      %cond3A_84 = arith.cmpi ne, %convert_element_type3A, %cond3A : i32
      scf.if %cond3A_84 {
        %mul3A_90 = arith.constant 2 : i32
        %mul3A_91 = arith.muli %mul3A_90, %while3A_57 : i32
        %add3A_92 = arith.constant 2 : i32
        %add3A_93 = arith.addi %mul3A_91, %add3A_92 : i32
        %mul3A_94 = arith.constant 128 : i32
        %mul3A_95 = arith.muli %add3A_93, %mul3A_94 : i32
        %add3A_96 = arith.addi %mul3A_11, %mul3A_95 : i32
        %mul3A_97 = arith.constant 2 : i32
        %mul3A_98 = arith.muli %add3A_96, %mul3A_97 : i32
        "tpu.region"() ({
          %run_scoped3A = tpu.sem_alloc : memref<!tpu.dma_semaphore, #tpu.memory_space<semaphore_mem>>
          %dma_start3A_110 = tpu.memref_slice %arg3[%mul3A_98] : memref<655360xi32, #tpu.memory_space<hbm>> -> memref<256xi32, #tpu.memory_space<hbm>>
          %dma_start3A_111 = tpu.memref_slice %arg3[%mul3A_98] : memref<655360xi32, #tpu.memory_space<hbm>> -> memref<256xi32, #tpu.memory_space<hbm>>
          tpu.enqueue_dma source(%dma_start3A_111 : memref<256xi32, #tpu.memory_space<hbm>>) target(%arg7 : memref<256xi32, #tpu.memory_space<vmem>>) target_semaphore(%run_scoped3A : memref<!tpu.dma_semaphore, #tpu.memory_space<semaphore_mem>>)
          %dma_wait3A_112 = tpu.memref_slice %arg3[%mul3A_98] : memref<655360xi32, #tpu.memory_space<hbm>> -> memref<256xi32, #tpu.memory_space<hbm>>
          %dma_wait3A_113 = tpu.memref_slice %arg3[%mul3A_98] : memref<655360xi32, #tpu.memory_space<hbm>> -> memref<256xi32, #tpu.memory_space<hbm>>
          tpu.wait_dma2 semaphore(%run_scoped3A : memref<!tpu.dma_semaphore, #tpu.memory_space<semaphore_mem>>) src(%dma_wait3A_113 : memref<256xi32, #tpu.memory_space<hbm>>) dst(%arg7 : memref<256xi32, #tpu.memory_space<vmem>>)
          tpu.yield
        }) : () -> ()
        %scan3A_99 = arith.constant 0 : i32
        %scan3A_100 = arith.constant 0 : i32
        %scan3A_101 = arith.constant 8 : i32
        %scan3A_102 = arith.addi %scan3A_100, %scan3A_101 : i32
        %scan3A_103 = arith.constant 1 : i32
        scf.for %scan3A_110 = %scan3A_100 to %scan3A_102 step %scan3A_103  : i32 {
          %mul3A_111 = arith.constant 16 : i32
          %mul3A_112 = arith.muli %scan3A_110, %mul3A_111 : i32
          %add3A_113 = arith.constant 128 : i32
          %add3A_114 = arith.addi %add3A_113, %mul3A_112 : i32
          %get3A = arith.index_cast %add3A_114 : i32 to index
          %get3A_115 = tpu.vector_load %arg7[%get3A] {strides = array<i32>} : memref<256xi32, #tpu.memory_space<vmem>>, vector<16xi32>,
          %get3A_116 = vector.shape_cast %get3A_115 : vector<16xi32> to vector<16xi32>
          %mul3A_117 = arith.constant 16 : i32
          %mul3A_118 = arith.muli %scan3A_110, %mul3A_117 : i32
          %swap3A = arith.index_cast %mul3A_118 : i32 to index
          %swap3A_119 = tpu.vector_load %arg9[%swap3A] {strides = array<i32>} : memref<128xi32, #tpu.memory_space<vmem>>, vector<16xi32>,
          %swap3A_120 = vector.shape_cast %swap3A_119 : vector<16xi32> to vector<16xi32>
          %swap3A_121 = vector.shape_cast %get3A_116 : vector<16xi32> to vector<16xi32>
          tpu.vector_store %arg9[%swap3A], %swap3A_121 {strides = array<i32>} : memref<128xi32, #tpu.memory_space<vmem>>, vector<16xi32>,
        }
        %scan3A_104 = arith.constant 8 : i32
        %dma_start3A_105 = arith.constant 0 : i32
        %dma_start3A_106 = tpu.memref_slice %arg7[%dma_start3A_105] : memref<256xi32, #tpu.memory_space<vmem>> -> memref<128xi32, #tpu.memory_space<vmem>>
        %dma_start3A_107 = arith.constant 0 : i32
        %dma_start3A_108 = arith.constant 0 : i32
        %dma_start3A_109 = tpu.memref_slice %arg2[%dma_start3A_107, %dma_start3A_108] : memref<10112x128xf32, #tpu.memory_space<hbm>> -> memref<10112x128xf32, #tpu.memory_space<hbm>>
        tpu.enqueue_indirect_dma source(%dma_start3A_109 : memref<10112x128xf32, #tpu.memory_space<hbm>>) target(%arg11 : memref<128x128xf32, #tpu.memory_space<vmem>>) offsets(%dma_start3A_106 : memref<128xi32, #tpu.memory_space<vmem>>) semaphore(%arg13 : memref<!tpu.dma_semaphore, #tpu.memory_space<semaphore_mem>>)
      } else {
      }
      %dma_wait3A_85 = arith.constant 0 : i32
      %dma_wait3A_86 = tpu.memref_slice %arg8[%dma_wait3A_85] : memref<256xi32, #tpu.memory_space<vmem>> -> memref<128xi32, #tpu.memory_space<vmem>>
      %dma_wait3A_87 = arith.constant 0 : i32
      %dma_wait3A_88 = arith.constant 0 : i32
      %dma_wait3A_89 = tpu.memref_slice %arg2[%dma_wait3A_87, %dma_wait3A_88] : memref<10112x128xf32, #tpu.memory_space<hbm>> -> memref<10112x128xf32, #tpu.memory_space<hbm>>
      tpu.wait_indirect_dma semaphore(%arg14 : memref<!tpu.dma_semaphore, #tpu.memory_space<semaphore_mem>>) src(%dma_wait3A_89 : memref<10112x128xf32, #tpu.memory_space<hbm>>) dst(%arg12 : memref<128x128xf32, #tpu.memory_space<vmem>>)
      "tpu.region"() ({
        %run_scoped3A = tpu.sem_alloc : memref<!tpu.dma_semaphore, #tpu.memory_space<semaphore_mem>>
        %dma_start3A_90 = arith.constant 0 : i32
        %dma_start3A_91 = arith.constant 0 : i32
        %dma_start3A_92 = tpu.memref_slice %arg6[%dma_start3A_90, %dma_start3A_91] : memref<10112x128xf32, #tpu.memory_space<vmem_shared>> -> memref<10112x128xf32, #tpu.memory_space<vmem_shared>>
        tpu.enqueue_indirect_dma source(%arg12 : memref<128x128xf32, #tpu.memory_space<vmem>>) target(%dma_start3A_92 : memref<10112x128xf32, #tpu.memory_space<vmem_shared>>) offsets(%arg10 : memref<128xi32, #tpu.memory_space<vmem>>) semaphore(%run_scoped3A : memref<!tpu.dma_semaphore, #tpu.memory_space<semaphore_mem>>) {add = true}
        %dma_wait3A_93 = arith.constant 0 : i32
        %dma_wait3A_94 = arith.constant 0 : i32
        %dma_wait3A_95 = tpu.memref_slice %arg6[%dma_wait3A_93, %dma_wait3A_94] : memref<10112x128xf32, #tpu.memory_space<vmem_shared>> -> memref<10112x128xf32, #tpu.memory_space<vmem_shared>>
        tpu.wait_indirect_dma semaphore(%run_scoped3A : memref<!tpu.dma_semaphore, #tpu.memory_space<semaphore_mem>>) src(%arg12 : memref<128x128xf32, #tpu.memory_space<vmem>>) dst(%dma_wait3A_95 : memref<10112x128xf32, #tpu.memory_space<vmem_shared>>)
        tpu.yield
      }) : () -> ()
    }
    %while3A_51 = arith.constant 1 : i32
    scf.for %while3A_57 = %while3A_49 to %while3A_45 step %while3A_51  : i32 {
      %mul3A_58 = arith.constant 2 : i32
      %mul3A_59 = arith.muli %mul3A_58, %while3A_57 : i32
      %add3A_60 = arith.constant 1 : i32
      %add3A_61 = arith.addi %mul3A_59, %add3A_60 : i32
      %mul3A_62 = arith.constant 128 : i32
      %mul3A_63 = arith.muli %add3A_61, %mul3A_62 : i32
      %add3A_64 = arith.addi %mul3A_11, %mul3A_63 : i32
      %mul3A_65 = arith.constant 2 : i32
      %mul3A_66 = arith.muli %add3A_64, %mul3A_65 : i32
      "tpu.region"() ({
        %run_scoped3A = tpu.sem_alloc : memref<!tpu.dma_semaphore, #tpu.memory_space<semaphore_mem>>
        %dma_start3A_90 = tpu.memref_slice %arg3[%mul3A_66] : memref<655360xi32, #tpu.memory_space<hbm>> -> memref<256xi32, #tpu.memory_space<hbm>>
        %dma_start3A_91 = tpu.memref_slice %arg3[%mul3A_66] : memref<655360xi32, #tpu.memory_space<hbm>> -> memref<256xi32, #tpu.memory_space<hbm>>
        tpu.enqueue_dma source(%dma_start3A_91 : memref<256xi32, #tpu.memory_space<hbm>>) target(%arg8 : memref<256xi32, #tpu.memory_space<vmem>>) target_semaphore(%run_scoped3A : memref<!tpu.dma_semaphore, #tpu.memory_space<semaphore_mem>>)
        %dma_wait3A_92 = tpu.memref_slice %arg3[%mul3A_66] : memref<655360xi32, #tpu.memory_space<hbm>> -> memref<256xi32, #tpu.memory_space<hbm>>
        %dma_wait3A_93 = tpu.memref_slice %arg3[%mul3A_66] : memref<655360xi32, #tpu.memory_space<hbm>> -> memref<256xi32, #tpu.memory_space<hbm>>
        tpu.wait_dma2 semaphore(%run_scoped3A : memref<!tpu.dma_semaphore, #tpu.memory_space<semaphore_mem>>) src(%dma_wait3A_93 : memref<256xi32, #tpu.memory_space<hbm>>) dst(%arg8 : memref<256xi32, #tpu.memory_space<vmem>>)
        tpu.yield
      }) : () -> ()
      %scan3A_67 = arith.constant 0 : i32
      %scan3A_68 = arith.constant 0 : i32
      %scan3A_69 = arith.constant 8 : i32
      %scan3A_70 = arith.addi %scan3A_68, %scan3A_69 : i32
      %scan3A_71 = arith.constant 1 : i32
      scf.for %scan3A_90 = %scan3A_68 to %scan3A_70 step %scan3A_71  : i32 {
        %mul3A_91 = arith.constant 16 : i32
        %mul3A_92 = arith.muli %scan3A_90, %mul3A_91 : i32
        %add3A_93 = arith.constant 128 : i32
        %add3A_94 = arith.addi %add3A_93, %mul3A_92 : i32
        %get3A = arith.index_cast %add3A_94 : i32 to index
        %get3A_95 = tpu.vector_load %arg8[%get3A] {strides = array<i32>} : memref<256xi32, #tpu.memory_space<vmem>>, vector<16xi32>,
        %get3A_96 = vector.shape_cast %get3A_95 : vector<16xi32> to vector<16xi32>
        %mul3A_97 = arith.constant 16 : i32
        %mul3A_98 = arith.muli %scan3A_90, %mul3A_97 : i32
        %swap3A = arith.index_cast %mul3A_98 : i32 to index
        %swap3A_99 = tpu.vector_load %arg10[%swap3A] {strides = array<i32>} : memref<128xi32, #tpu.memory_space<vmem>>, vector<16xi32>,
        %swap3A_100 = vector.shape_cast %swap3A_99 : vector<16xi32> to vector<16xi32>
        %swap3A_101 = vector.shape_cast %get3A_96 : vector<16xi32> to vector<16xi32>
        tpu.vector_store %arg10[%swap3A], %swap3A_101 {strides = array<i32>} : memref<128xi32, #tpu.memory_space<vmem>>, vector<16xi32>,
      }
      %scan3A_72 = arith.constant 8 : i32
      %dma_start3A_73 = arith.constant 0 : i32
      %dma_start3A_74 = tpu.memref_slice %arg8[%dma_start3A_73] : memref<256xi32, #tpu.memory_space<vmem>> -> memref<128xi32, #tpu.memory_space<vmem>>
      %dma_start3A_75 = arith.constant 0 : i32
      %dma_start3A_76 = arith.constant 0 : i32
      %dma_start3A_77 = tpu.memref_slice %arg2[%dma_start3A_75, %dma_start3A_76] : memref<10112x128xf32, #tpu.memory_space<hbm>> -> memref<10112x128xf32, #tpu.memory_space<hbm>>
      tpu.enqueue_indirect_dma source(%dma_start3A_77 : memref<10112x128xf32, #tpu.memory_space<hbm>>) target(%arg12 : memref<128x128xf32, #tpu.memory_space<vmem>>) offsets(%dma_start3A_74 : memref<128xi32, #tpu.memory_space<vmem>>) semaphore(%arg14 : memref<!tpu.dma_semaphore, #tpu.memory_space<semaphore_mem>>)
      %dma_wait3A = arith.constant 0 : i32
      %dma_wait3A_78 = tpu.memref_slice %arg7[%dma_wait3A] : memref<256xi32, #tpu.memory_space<vmem>> -> memref<128xi32, #tpu.memory_space<vmem>>
      %dma_wait3A_79 = arith.constant 0 : i32
      %dma_wait3A_80 = arith.constant 0 : i32
      %dma_wait3A_81 = tpu.memref_slice %arg2[%dma_wait3A_79, %dma_wait3A_80] : memref<10112x128xf32, #tpu.memory_space<hbm>> -> memref<10112x128xf32, #tpu.memory_space<hbm>>
      tpu.wait_indirect_dma semaphore(%arg13 : memref<!tpu.dma_semaphore, #tpu.memory_space<semaphore_mem>>) src(%dma_wait3A_81 : memref<10112x128xf32, #tpu.memory_space<hbm>>) dst(%arg11 : memref<128x128xf32, #tpu.memory_space<vmem>>)
      "tpu.region"() ({
        %run_scoped3A = tpu.sem_alloc : memref<!tpu.dma_semaphore, #tpu.memory_space<semaphore_mem>>
        %dma_start3A_90 = arith.constant 0 : i32
        %dma_start3A_91 = arith.constant 0 : i32
        %dma_start3A_92 = tpu.memref_slice %arg6[%dma_start3A_90, %dma_start3A_91] : memref<10112x128xf32, #tpu.memory_space<vmem_shared>> -> memref<10112x128xf32, #tpu.memory_space<vmem_shared>>
        tpu.enqueue_indirect_dma source(%arg11 : memref<128x128xf32, #tpu.memory_space<vmem>>) target(%dma_start3A_92 : memref<10112x128xf32, #tpu.memory_space<vmem_shared>>) offsets(%arg9 : memref<128xi32, #tpu.memory_space<vmem>>) semaphore(%run_scoped3A : memref<!tpu.dma_semaphore, #tpu.memory_space<semaphore_mem>>) {add = true}
        %dma_wait3A_93 = arith.constant 0 : i32
        %dma_wait3A_94 = arith.constant 0 : i32
        %dma_wait3A_95 = tpu.memref_slice %arg6[%dma_wait3A_93, %dma_wait3A_94] : memref<10112x128xf32, #tpu.memory_space<vmem_shared>> -> memref<10112x128xf32, #tpu.memory_space<vmem_shared>>
        tpu.wait_indirect_dma semaphore(%run_scoped3A : memref<!tpu.dma_semaphore, #tpu.memory_space<semaphore_mem>>) src(%arg11 : memref<128x128xf32, #tpu.memory_space<vmem>>) dst(%dma_wait3A_95 : memref<10112x128xf32, #tpu.memory_space<vmem_shared>>)
        tpu.yield
      }) : () -> ()
      %sub3A_82 = arith.constant 1 : i32
      %sub3A_83 = arith.subi %select_n3A_42, %sub3A_82 : i32
      %lt3A = arith.cmpi slt, %while3A_57, %sub3A_83 : i32
      %convert_element_type3A = arith.extui %lt3A : i1 to i32
      %cond3A = arith.constant 0 : i32
      %cond3A_84 = arith.cmpi ne, %convert_element_type3A, %cond3A : i32
      scf.if %cond3A_84 {
        %mul3A_90 = arith.constant 2 : i32
        %mul3A_91 = arith.muli %mul3A_90, %while3A_57 : i32
        %add3A_92 = arith.constant 2 : i32
        %add3A_93 = arith.addi %mul3A_91, %add3A_92 : i32
        %mul3A_94 = arith.constant 128 : i32
        %mul3A_95 = arith.muli %add3A_93, %mul3A_94 : i32
        %add3A_96 = arith.addi %mul3A_11, %mul3A_95 : i32
        %mul3A_97 = arith.constant 2 : i32
        %mul3A_98 = arith.muli %add3A_96, %mul3A_97 : i32
        "tpu.region"() ({
          %run_scoped3A = tpu.sem_alloc : memref<!tpu.dma_semaphore, #tpu.memory_space<semaphore_mem>>
          %dma_start3A_110 = tpu.memref_slice %arg3[%mul3A_98] : memref<655360xi32, #tpu.memory_space<hbm>> -> memref<256xi32, #tpu.memory_space<hbm>>
          %dma_start3A_111 = tpu.memref_slice %arg3[%mul3A_98] : memref<655360xi32, #tpu.memory_space<hbm>> -> memref<256xi32, #tpu.memory_space<hbm>>
          tpu.enqueue_dma source(%dma_start3A_111 : memref<256xi32, #tpu.memory_space<hbm>>) target(%arg7 : memref<256xi32, #tpu.memory_space<vmem>>) target_semaphore(%run_scoped3A : memref<!tpu.dma_semaphore, #tpu.memory_space<semaphore_mem>>)
          %dma_wait3A_112 = tpu.memref_slice %arg3[%mul3A_98] : memref<655360xi32, #tpu.memory_space<hbm>> -> memref<256xi32, #tpu.memory_space<hbm>>
          %dma_wait3A_113 = tpu.memref_slice %arg3[%mul3A_98] : memref<655360xi32, #tpu.memory_space<hbm>> -> memref<256xi32, #tpu.memory_space<hbm>>
          tpu.wait_dma2 semaphore(%run_scoped3A : memref<!tpu.dma_semaphore, #tpu.memory_space<semaphore_mem>>) src(%dma_wait3A_113 : memref<256xi32, #tpu.memory_space<hbm>>) dst(%arg7 : memref<256xi32, #tpu.memory_space<vmem>>)
          tpu.yield
        }) : () -> ()
        %scan3A_99 = arith.constant 0 : i32
        %scan3A_100 = arith.constant 0 : i32
        %scan3A_101 = arith.constant 8 : i32
        %scan3A_102 = arith.addi %scan3A_100, %scan3A_101 : i32
        %scan3A_103 = arith.constant 1 : i32
        scf.for %scan3A_110 = %scan3A_100 to %scan3A_102 step %scan3A_103  : i32 {
          %mul3A_111 = arith.constant 16 : i32
          %mul3A_112 = arith.muli %scan3A_110, %mul3A_111 : i32
          %add3A_113 = arith.constant 128 : i32
          %add3A_114 = arith.addi %add3A_113, %mul3A_112 : i32
          %get3A = arith.index_cast %add3A_114 : i32 to index
          %get3A_115 = tpu.vector_load %arg7[%get3A] {strides = array<i32>} : memref<256xi32, #tpu.memory_space<vmem>>, vector<16xi32>,
          %get3A_116 = vector.shape_cast %get3A_115 : vector<16xi32> to vector<16xi32>
          %mul3A_117 = arith.constant 16 : i32
          %mul3A_118 = arith.muli %scan3A_110, %mul3A_117 : i32
          %swap3A = arith.index_cast %mul3A_118 : i32 to index
          %swap3A_119 = tpu.vector_load %arg9[%swap3A] {strides = array<i32>} : memref<128xi32, #tpu.memory_space<vmem>>, vector<16xi32>,
          %swap3A_120 = vector.shape_cast %swap3A_119 : vector<16xi32> to vector<16xi32>
          %swap3A_121 = vector.shape_cast %get3A_116 : vector<16xi32> to vector<16xi32>
          tpu.vector_store %arg9[%swap3A], %swap3A_121 {strides = array<i32>} : memref<128xi32, #tpu.memory_space<vmem>>, vector<16xi32>,
        }
        %scan3A_104 = arith.constant 8 : i32
        %dma_start3A_105 = arith.constant 0 : i32
        %dma_start3A_106 = tpu.memref_slice %arg7[%dma_start3A_105] : memref<256xi32, #tpu.memory_space<vmem>> -> memref<128xi32, #tpu.memory_space<vmem>>
        %dma_start3A_107 = arith.constant 0 : i32
        %dma_start3A_108 = arith.constant 0 : i32
        %dma_start3A_109 = tpu.memref_slice %arg2[%dma_start3A_107, %dma_start3A_108] : memref<10112x128xf32, #tpu.memory_space<hbm>> -> memref<10112x128xf32, #tpu.memory_space<hbm>>
        tpu.enqueue_indirect_dma source(%dma_start3A_109 : memref<10112x128xf32, #tpu.memory_space<hbm>>) target(%arg11 : memref<128x128xf32, #tpu.memory_space<vmem>>) offsets(%dma_start3A_106 : memref<128xi32, #tpu.memory_space<vmem>>) semaphore(%arg13 : memref<!tpu.dma_semaphore, #tpu.memory_space<semaphore_mem>>)
      } else {
      }
      %dma_wait3A_85 = arith.constant 0 : i32
      %dma_wait3A_86 = tpu.memref_slice %arg8[%dma_wait3A_85] : memref<256xi32, #tpu.memory_space<vmem>> -> memref<128xi32, #tpu.memory_space<vmem>>
      %dma_wait3A_87 = arith.constant 0 : i32
      %dma_wait3A_88 = arith.constant 0 : i32
      %dma_wait3A_89 = tpu.memref_slice %arg2[%dma_wait3A_87, %dma_wait3A_88] : memref<10112x128xf32, #tpu.memory_space<hbm>> -> memref<10112x128xf32, #tpu.memory_space<hbm>>
      tpu.wait_indirect_dma semaphore(%arg14 : memref<!tpu.dma_semaphore, #tpu.memory_space<semaphore_mem>>) src(%dma_wait3A_89 : memref<10112x128xf32, #tpu.memory_space<hbm>>) dst(%arg12 : memref<128x128xf32, #tpu.memory_space<vmem>>)
      "tpu.region"() ({
        %run_scoped3A = tpu.sem_alloc : memref<!tpu.dma_semaphore, #tpu.memory_space<semaphore_mem>>
        %dma_start3A_90 = arith.constant 0 : i32
        %dma_start3A_91 = arith.constant 0 : i32
        %dma_start3A_92 = tpu.memref_slice %arg6[%dma_start3A_90, %dma_start3A_91] : memref<10112x128xf32, #tpu.memory_space<vmem_shared>> -> memref<10112x128xf32, #tpu.memory_space<vmem_shared>>
        tpu.enqueue_indirect_dma source(%arg12 : memref<128x128xf32, #tpu.memory_space<vmem>>) target(%dma_start3A_92 : memref<10112x128xf32, #tpu.memory_space<vmem_shared>>) offsets(%arg10 : memref<128xi32, #tpu.memory_space<vmem>>) semaphore(%run_scoped3A : memref<!tpu.dma_semaphore, #tpu.memory_space<semaphore_mem>>) {add = true}
        %dma_wait3A_93 = arith.constant 0 : i32
        %dma_wait3A_94 = arith.constant 0 : i32
        %dma_wait3A_95 = tpu.memref_slice %arg6[%dma_wait3A_93, %dma_wait3A_94] : memref<10112x128xf32, #tpu.memory_space<vmem_shared>> -> memref<10112x128xf32, #tpu.memory_space<vmem_shared>>
        tpu.wait_indirect_dma semaphore(%run_scoped3A : memref<!tpu.dma_semaphore, #tpu.memory_space<semaphore_mem>>) src(%arg12 : memref<128x128xf32, #tpu.memory_space<vmem>>) dst(%dma_wait3A_95 : memref<10112x128xf32, #tpu.memory_space<vmem_shared>>)
        tpu.yield
      }) : () -> ()
    }
    %barrier3A_52 = arith.constant 0 : index
    tpu.barrier barrier_id(%barrier3A_52)
    %mul3A_53 = arith.constant 632 : i32
    %mul3A_54 = arith.muli %arg1, %mul3A_53 : i32
    %mul3A_55 = arith.constant 632 : i32
    %mul3A_56 = arith.muli %arg1, %mul3A_55 : i32
    "tpu.region"() ({
      %run_scoped3A = tpu.sem_alloc : memref<!tpu.dma_semaphore, #tpu.memory_space<semaphore_mem>>
      %dma_start3A_57 = arith.constant 0 : i32
      %dma_start3A_58 = tpu.memref_slice %arg5[%arg0, %mul3A_56, %dma_start3A_57] : memref<2x10112x128xf32, #tpu.memory_space<hbm>> -> memref<1x632x128xf32, #tpu.memory_space<hbm>>
      %dma_start3A_59 = tpu.memref_squeeze %dma_start3A_58 : memref<1x632x128xf32, #tpu.memory_space<hbm>> -> memref<632x128xf32, #tpu.memory_space<hbm>>
      %dma_start3A_60 = arith.constant 0 : i32
      %dma_start3A_61 = tpu.memref_slice %arg6[%mul3A_54, %dma_start3A_60] : memref<10112x128xf32, #tpu.memory_space<vmem_shared>> -> memref<632x128xf32, #tpu.memory_space<vmem_shared>>
      tpu.enqueue_dma source(%dma_start3A_61 : memref<632x128xf32, #tpu.memory_space<vmem_shared>>) target(%dma_start3A_59 : memref<632x128xf32, #tpu.memory_space<hbm>>) target_semaphore(%run_scoped3A : memref<!tpu.dma_semaphore, #tpu.memory_space<semaphore_mem>>)
      %dma_wait3A = arith.constant 0 : i32
      %dma_wait3A_62 = tpu.memref_slice %arg5[%arg0, %mul3A_56, %dma_wait3A] : memref<2x10112x128xf32, #tpu.memory_space<hbm>> -> memref<1x632x128xf32, #tpu.memory_space<hbm>>
      %dma_wait3A_63 = tpu.memref_squeeze %dma_wait3A_62 : memref<1x632x128xf32, #tpu.memory_space<hbm>> -> memref<632x128xf32, #tpu.memory_space<hbm>>
      %dma_wait3A_64 = arith.constant 0 : i32
      %dma_wait3A_65 = tpu.memref_slice %arg6[%mul3A_54, %dma_wait3A_64] : memref<10112x128xf32, #tpu.memory_space<vmem_shared>> -> memref<632x128xf32, #tpu.memory_space<vmem_shared>>
      tpu.wait_dma2 semaphore(%run_scoped3A : memref<!tpu.dma_semaphore, #tpu.memory_space<semaphore_mem>>) src(%dma_wait3A_65 : memref<632x128xf32, #tpu.memory_space<vmem_shared>>) dst(%dma_wait3A_63 : memref<632x128xf32, #tpu.memory_space<hbm>>)
      tpu.yield
    }) : () -> ()
    return
  }
}

#map = affine_map<(d0, d1) -> (0, 0)>
#map1 = affine_map<(d0, d1) -> (0)>
#map2 = affine_map<(d0, d1) -> (0, 0, 0)>
module attributes {stable_mosaic.version = 14 : i64} {
  func.func @body(%arg0: i32, %arg1: i32, %arg2: memref<10112x128xf32, #tpu.memory_space<hbm>>, %arg3: memref<655360xi32, #tpu.memory_space<hbm>>, %arg4: memref<10112x128xf32, #tpu.memory_space<hbm>>, %arg5: memref<2x10112x128xf32, #tpu.memory_space<hbm>>, %arg6: memref<10112x128xf32, #tpu.memory_space<vmem_shared>>, %arg7: memref<256xi32, #tpu.memory_space<vmem>>, %arg8: memref<256xi32, #tpu.memory_space<vmem>>, %arg9: memref<128xi32, #tpu.memory_space<vmem>>, %arg10: memref<128xi32, #tpu.memory_space<vmem>>, %arg11: memref<128x128xf32, #tpu.memory_space<vmem>>, %arg12: memref<128x128xf32, #tpu.memory_space<vmem>>, %arg13: memref<!tpu.dma_semaphore, #tpu.memory_space<semaphore_mem>>, %arg14: memref<!tpu.dma_semaphore, #tpu.memory_space<semaphore_mem>>) attributes {dimension_semantics = [#tpu.dimension_semantics<core_parallel>, #tpu.dimension_semantics<subcore_parallel>], iteration_bounds = array<i64: 2, 16>, scalar_prefetch = 0 : i64, scratch_operands = 9 : i64, tpu.core_type = #tpu.core_type<sc_vector_subcore>, window_params = [{transform_indices = #map}, {transform_indices = #map1}, {transform_indices = #map}, {transform_indices = #map2}]} {
    %mul3A = arith.constant 632 : i32
    %mul3A_0 = arith.muli %arg1, %mul3A : i32
    %mul3A_1 = arith.constant 632 : i32
    %mul3A_2 = arith.muli %arg1, %mul3A_1 : i32
    "tpu.region"() ({
      %run_scoped3A = tpu.sem_alloc : memref<!tpu.dma_semaphore, #tpu.memory_space<semaphore_mem>>
      %dma_start3A_57 = arith.constant 0 : i32
      %dma_start3A_58 = tpu.memref_slice %arg6[%mul3A_2, %dma_start3A_57] : memref<10112x128xf32, #tpu.memory_space<vmem_shared>> -> memref<632x128xf32, #tpu.memory_space<vmem_shared>>
      %dma_start3A_59 = arith.constant 0 : i32
      %dma_start3A_60 = tpu.memref_slice %arg4[%mul3A_0, %dma_start3A_59] : memref<10112x128xf32, #tpu.memory_space<hbm>> -> memref<632x128xf32, #tpu.memory_space<hbm>>
      tpu.enqueue_dma source(%dma_start3A_60 : memref<632x128xf32, #tpu.memory_space<hbm>>) target(%dma_start3A_58 : memref<632x128xf32, #tpu.memory_space<vmem_shared>>) target_semaphore(%run_scoped3A : memref<!tpu.dma_semaphore, #tpu.memory_space<semaphore_mem>>)
      %dma_wait3A = arith.constant 0 : i32
      %dma_wait3A_61 = tpu.memref_slice %arg6[%mul3A_2, %dma_wait3A] : memref<10112x128xf32, #tpu.memory_space<vmem_shared>> -> memref<632x128xf32, #tpu.memory_space<vmem_shared>>
      %dma_wait3A_62 = arith.constant 0 : i32
      %dma_wait3A_63 = tpu.memref_slice %arg4[%mul3A_0, %dma_wait3A_62] : memref<10112x128xf32, #tpu.memory_space<hbm>> -> memref<632x128xf32, #tpu.memory_space<hbm>>
      tpu.wait_dma2 semaphore(%run_scoped3A : memref<!tpu.dma_semaphore, #tpu.memory_space<semaphore_mem>>) src(%dma_wait3A_63 : memref<632x128xf32, #tpu.memory_space<hbm>>) dst(%dma_wait3A_61 : memref<632x128xf32, #tpu.memory_space<vmem_shared>>)
      tpu.yield
    }) : () -> ()
    %barrier3A = arith.constant 0 : index
    tpu.barrier barrier_id(%barrier3A)
    %eq3A = arith.constant 0 : i32
    %eq3A_3 = arith.cmpi eq, %arg0, %eq3A : i32
    %jit3A = arith.constant 152 : i32
    %jit3A_4 = arith.constant 8 : i32
    %select_n3A = arith.select %eq3A_3, %jit3A, %jit3A_4 : i32
    %mul3A_5 = arith.constant 16 : i32
    %mul3A_6 = arith.muli %arg0, %mul3A_5 : i32
    %mul3A_7 = arith.constant 152 : i32
    %mul3A_8 = arith.muli %mul3A_6, %mul3A_7 : i32
    %mul3A_9 = arith.muli %arg1, %select_n3A : i32
    %add3A = arith.addi %mul3A_8, %mul3A_9 : i32
    %mul3A_10 = arith.constant 128 : i32
    %mul3A_11 = arith.muli %add3A, %mul3A_10 : i32
    %add3A_12 = arith.constant 0 : i32
    %add3A_13 = arith.addi %mul3A_11, %add3A_12 : i32
    %mul3A_14 = arith.constant 2 : i32
    %mul3A_15 = arith.muli %add3A_13, %mul3A_14 : i32
    "tpu.region"() ({
      %run_scoped3A = tpu.sem_alloc : memref<!tpu.dma_semaphore, #tpu.memory_space<semaphore_mem>>
      %dma_start3A_57 = tpu.memref_slice %arg3[%mul3A_15] : memref<655360xi32, #tpu.memory_space<hbm>> -> memref<256xi32, #tpu.memory_space<hbm>>
      %dma_start3A_58 = tpu.memref_slice %arg3[%mul3A_15] : memref<655360xi32, #tpu.memory_space<hbm>> -> memref<256xi32, #tpu.memory_space<hbm>>
      tpu.enqueue_dma source(%dma_start3A_58 : memref<256xi32, #tpu.memory_space<hbm>>) target(%arg7 : memref<256xi32, #tpu.memory_space<vmem>>) target_semaphore(%run_scoped3A : memref<!tpu.dma_semaphore, #tpu.memory_space<semaphore_mem>>)
      %dma_wait3A = tpu.memref_slice %arg3[%mul3A_15] : memref<655360xi32, #tpu.memory_space<hbm>> -> memref<256xi32, #tpu.memory_space<hbm>>
      %dma_wait3A_59 = tpu.memref_slice %arg3[%mul3A_15] : memref<655360xi32, #tpu.memory_space<hbm>> -> memref<256xi32, #tpu.memory_space<hbm>>
      tpu.wait_dma2 semaphore(%run_scoped3A : memref<!tpu.dma_semaphore, #tpu.memory_space<semaphore_mem>>) src(%dma_wait3A_59 : memref<256xi32, #tpu.memory_space<hbm>>) dst(%arg7 : memref<256xi32, #tpu.memory_space<vmem>>)
      tpu.yield
    }) : () -> ()
    %scan3A = arith.constant 0 : i32
    %scan3A_16 = arith.constant 0 : i32
    %scan3A_17 = arith.constant 8 : i32
    %scan3A_18 = arith.addi %scan3A_16, %scan3A_17 : i32
    %scan3A_19 = arith.constant 1 : i32
    scf.for %scan3A_57 = %scan3A_16 to %scan3A_18 step %scan3A_19  : i32 {
      %mul3A_58 = arith.constant 16 : i32
      %mul3A_59 = arith.muli %scan3A_57, %mul3A_58 : i32
      %add3A_60 = arith.constant 128 : i32
      %add3A_61 = arith.addi %add3A_60, %mul3A_59 : i32
      %get3A = arith.index_cast %add3A_61 : i32 to index
      %get3A_62 = tpu.vector_load %arg7[%get3A] {strides = array<i32>} : memref<256xi32, #tpu.memory_space<vmem>>, vector<16xi32>,
      %get3A_63 = vector.shape_cast %get3A_62 : vector<16xi32> to vector<16xi32>
      %mul3A_64 = arith.constant 16 : i32
      %mul3A_65 = arith.muli %scan3A_57, %mul3A_64 : i32
      %swap3A = arith.index_cast %mul3A_65 : i32 to index
      %swap3A_66 = tpu.vector_load %arg9[%swap3A] {strides = array<i32>} : memref<128xi32, #tpu.memory_space<vmem>>, vector<16xi32>,
      %swap3A_67 = vector.shape_cast %swap3A_66 : vector<16xi32> to vector<16xi32>
      %swap3A_68 = vector.shape_cast %get3A_63 : vector<16xi32> to vector<16xi32>
      tpu.vector_store %arg9[%swap3A], %swap3A_68 {strides = array<i32>} : memref<128xi32, #tpu.memory_space<vmem>>, vector<16xi32>,
    }
    %scan3A_20 = arith.constant 8 : i32
    %dma_start3A = arith.constant 0 : i32
    %dma_start3A_21 = tpu.memref_slice %arg7[%dma_start3A] : memref<256xi32, #tpu.memory_space<vmem>> -> memref<128xi32, #tpu.memory_space<vmem>>
    %dma_start3A_22 = arith.constant 0 : i32
    %dma_start3A_23 = arith.constant 0 : i32
    %dma_start3A_24 = tpu.memref_slice %arg2[%dma_start3A_22, %dma_start3A_23] : memref<10112x128xf32, #tpu.memory_space<hbm>> -> memref<10112x128xf32, #tpu.memory_space<hbm>>
    tpu.enqueue_indirect_dma source(%dma_start3A_24 : memref<10112x128xf32, #tpu.memory_space<hbm>>) target(%arg11 : memref<128x128xf32, #tpu.memory_space<vmem>>) offsets(%dma_start3A_21 : memref<128xi32, #tpu.memory_space<vmem>>) semaphore(%arg13 : memref<!tpu.dma_semaphore, #tpu.memory_space<semaphore_mem>>)
    %jit3A_25 = arith.constant 2 : i32
    %div3A = arith.divsi %select_n3A, %jit3A_25 : i32
    %sign3A = arith.constant 0 : i32
    %sign3A_26 = arith.cmpi sgt, %select_n3A, %sign3A : i32
    %sign3A_27 = arith.extui %sign3A_26 : i1 to i32
    %sign3A_28 = arith.constant 0 : i32
    %sign3A_29 = arith.cmpi slt, %select_n3A, %sign3A_28 : i32
    %sign3A_30 = arith.extui %sign3A_29 : i1 to i32
    %sign3A_31 = arith.subi %sign3A_27, %sign3A_30 : i32
    %sign3A_32 = arith.constant 0 : i32
    %sign3A_33 = arith.cmpi sgt, %jit3A_25, %sign3A_32 : i32
    %sign3A_34 = arith.extui %sign3A_33 : i1 to i32
    %sign3A_35 = arith.constant 0 : i32
    %sign3A_36 = arith.cmpi slt, %jit3A_25, %sign3A_35 : i32
    %sign3A_37 = arith.extui %sign3A_36 : i1 to i32
    %sign3A_38 = arith.subi %sign3A_34, %sign3A_37 : i32
    %ne3A = arith.cmpi ne, %sign3A_31, %sign3A_38 : i32
    %rem3A = arith.remsi %select_n3A, %jit3A_25 : i32
    %ne3A_39 = arith.constant 0 : i32
    %ne3A_40 = arith.cmpi ne, %rem3A, %ne3A_39 : i32
    %and3A = arith.andi %ne3A, %ne3A_40 : i1
    %sub3A = arith.constant 1 : i32
    %sub3A_41 = arith.subi %div3A, %sub3A : i32
    %select_n3A_42 = arith.select %and3A, %sub3A_41, %div3A : i32
    %while3A = arith.constant 0 : i32
    %while3A_43 = arith.constant 0 : i32
    %while3A_44 = arith.subi %select_n3A_42, %while3A_43 : i32
    %while3A_45 = arith.addi %while3A_43, %while3A_44 : i32
    %while3A_46 = arith.constant 1 : i32
    %while3A_47 = arith.divsi %while3A_44, %while3A_46 : i32
    %while3A_48 = arith.muli %while3A_47, %while3A_46 : i32
    %while3A_49 = arith.addi %while3A_43, %while3A_48 : i32
    %while3A_50 = arith.constant 1 : i32
    scf.for %while3A_57 = %while3A_43 to %while3A_49 step %while3A_50  : i32 {
      %mul3A_58 = arith.constant 2 : i32
      %mul3A_59 = arith.muli %mul3A_58, %while3A_57 : i32
      %add3A_60 = arith.constant 1 : i32
      %add3A_61 = arith.addi %mul3A_59, %add3A_60 : i32
      %mul3A_62 = arith.constant 128 : i32
      %mul3A_63 = arith.muli %add3A_61, %mul3A_62 : i32
      %add3A_64 = arith.addi %mul3A_11, %mul3A_63 : i32
      %mul3A_65 = arith.constant 2 : i32
      %mul3A_66 = arith.muli %add3A_64, %mul3A_65 : i32
      "tpu.region"() ({
        %run_scoped3A = tpu.sem_alloc : memref<!tpu.dma_semaphore, #tpu.memory_space<semaphore_mem>>
        %dma_start3A_90 = tpu.memref_slice %arg3[%mul3A_66] : memref<655360xi32, #tpu.memory_space<hbm>> -> memref<256xi32, #tpu.memory_space<hbm>>
        %dma_start3A_91 = tpu.memref_slice %arg3[%mul3A_66] : memref<655360xi32, #tpu.memory_space<hbm>> -> memref<256xi32, #tpu.memory_space<hbm>>
        tpu.enqueue_dma source(%dma_start3A_91 : memref<256xi32, #tpu.memory_space<hbm>>) target(%arg8 : memref<256xi32, #tpu.memory_space<vmem>>) target_semaphore(%run_scoped3A : memref<!tpu.dma_semaphore, #tpu.memory_space<semaphore_mem>>)
        %dma_wait3A_92 = tpu.memref_slice %arg3[%mul3A_66] : memref<655360xi32, #tpu.memory_space<hbm>> -> memref<256xi32, #tpu.memory_space<hbm>>
        %dma_wait3A_93 = tpu.memref_slice %arg3[%mul3A_66] : memref<655360xi32, #tpu.memory_space<hbm>> -> memref<256xi32, #tpu.memory_space<hbm>>
        tpu.wait_dma2 semaphore(%run_scoped3A : memref<!tpu.dma_semaphore, #tpu.memory_space<semaphore_mem>>) src(%dma_wait3A_93 : memref<256xi32, #tpu.memory_space<hbm>>) dst(%arg8 : memref<256xi32, #tpu.memory_space<vmem>>)
        tpu.yield
      }) : () -> ()
      %scan3A_67 = arith.constant 0 : i32
      %scan3A_68 = arith.constant 0 : i32
      %scan3A_69 = arith.constant 8 : i32
      %scan3A_70 = arith.addi %scan3A_68, %scan3A_69 : i32
      %scan3A_71 = arith.constant 1 : i32
      scf.for %scan3A_90 = %scan3A_68 to %scan3A_70 step %scan3A_71  : i32 {
        %mul3A_91 = arith.constant 16 : i32
        %mul3A_92 = arith.muli %scan3A_90, %mul3A_91 : i32
        %add3A_93 = arith.constant 128 : i32
        %add3A_94 = arith.addi %add3A_93, %mul3A_92 : i32
        %get3A = arith.index_cast %add3A_94 : i32 to index
        %get3A_95 = tpu.vector_load %arg8[%get3A] {strides = array<i32>} : memref<256xi32, #tpu.memory_space<vmem>>, vector<16xi32>,
        %get3A_96 = vector.shape_cast %get3A_95 : vector<16xi32> to vector<16xi32>
        %mul3A_97 = arith.constant 16 : i32
        %mul3A_98 = arith.muli %scan3A_90, %mul3A_97 : i32
        %swap3A = arith.index_cast %mul3A_98 : i32 to index
        %swap3A_99 = tpu.vector_load %arg10[%swap3A] {strides = array<i32>} : memref<128xi32, #tpu.memory_space<vmem>>, vector<16xi32>,
        %swap3A_100 = vector.shape_cast %swap3A_99 : vector<16xi32> to vector<16xi32>
        %swap3A_101 = vector.shape_cast %get3A_96 : vector<16xi32> to vector<16xi32>
        tpu.vector_store %arg10[%swap3A], %swap3A_101 {strides = array<i32>} : memref<128xi32, #tpu.memory_space<vmem>>, vector<16xi32>,
      }
      %scan3A_72 = arith.constant 8 : i32
      %dma_start3A_73 = arith.constant 0 : i32
      %dma_start3A_74 = tpu.memref_slice %arg8[%dma_start3A_73] : memref<256xi32, #tpu.memory_space<vmem>> -> memref<128xi32, #tpu.memory_space<vmem>>
      %dma_start3A_75 = arith.constant 0 : i32
      %dma_start3A_76 = arith.constant 0 : i32
      %dma_start3A_77 = tpu.memref_slice %arg2[%dma_start3A_75, %dma_start3A_76] : memref<10112x128xf32, #tpu.memory_space<hbm>> -> memref<10112x128xf32, #tpu.memory_space<hbm>>
      tpu.enqueue_indirect_dma source(%dma_start3A_77 : memref<10112x128xf32, #tpu.memory_space<hbm>>) target(%arg12 : memref<128x128xf32, #tpu.memory_space<vmem>>) offsets(%dma_start3A_74 : memref<128xi32, #tpu.memory_space<vmem>>) semaphore(%arg14 : memref<!tpu.dma_semaphore, #tpu.memory_space<semaphore_mem>>)
      %dma_wait3A = arith.constant 0 : i32
      %dma_wait3A_78 = tpu.memref_slice %arg7[%dma_wait3A] : memref<256xi32, #tpu.memory_space<vmem>> -> memref<128xi32, #tpu.memory_space<vmem>>
      %dma_wait3A_79 = arith.constant 0 : i32
      %dma_wait3A_80 = arith.constant 0 : i32
      %dma_wait3A_81 = tpu.memref_slice %arg2[%dma_wait3A_79, %dma_wait3A_80] : memref<10112x128xf32, #tpu.memory_space<hbm>> -> memref<10112x128xf32, #tpu.memory_space<hbm>>
      tpu.wait_indirect_dma semaphore(%arg13 : memref<!tpu.dma_semaphore, #tpu.memory_space<semaphore_mem>>) src(%dma_wait3A_81 : memref<10112x128xf32, #tpu.memory_space<hbm>>) dst(%arg11 : memref<128x128xf32, #tpu.memory_space<vmem>>)
      "tpu.region"() ({
        %run_scoped3A = tpu.sem_alloc : memref<!tpu.dma_semaphore, #tpu.memory_space<semaphore_mem>>
        %dma_start3A_90 = arith.constant 0 : i32
        %dma_start3A_91 = arith.constant 0 : i32
        %dma_start3A_92 = tpu.memref_slice %arg6[%dma_start3A_90, %dma_start3A_91] : memref<10112x128xf32, #tpu.memory_space<vmem_shared>> -> memref<10112x128xf32, #tpu.memory_space<vmem_shared>>
        tpu.enqueue_indirect_dma source(%arg11 : memref<128x128xf32, #tpu.memory_space<vmem>>) target(%dma_start3A_92 : memref<10112x128xf32, #tpu.memory_space<vmem_shared>>) offsets(%arg9 : memref<128xi32, #tpu.memory_space<vmem>>) semaphore(%run_scoped3A : memref<!tpu.dma_semaphore, #tpu.memory_space<semaphore_mem>>) {add = true}
        %dma_wait3A_93 = arith.constant 0 : i32
        %dma_wait3A_94 = arith.constant 0 : i32
        %dma_wait3A_95 = tpu.memref_slice %arg6[%dma_wait3A_93, %dma_wait3A_94] : memref<10112x128xf32, #tpu.memory_space<vmem_shared>> -> memref<10112x128xf32, #tpu.memory_space<vmem_shared>>
        tpu.wait_indirect_dma semaphore(%run_scoped3A : memref<!tpu.dma_semaphore, #tpu.memory_space<semaphore_mem>>) src(%arg11 : memref<128x128xf32, #tpu.memory_space<vmem>>) dst(%dma_wait3A_95 : memref<10112x128xf32, #tpu.memory_space<vmem_shared>>)
        tpu.yield
      }) : () -> ()
      %sub3A_82 = arith.constant 1 : i32
      %sub3A_83 = arith.subi %select_n3A_42, %sub3A_82 : i32
      %lt3A = arith.cmpi slt, %while3A_57, %sub3A_83 : i32
      %convert_element_type3A = arith.extui %lt3A : i1 to i32
      %cond3A = arith.constant 0 : i32
      %cond3A_84 = arith.cmpi ne, %convert_element_type3A, %cond3A : i32
      scf.if %cond3A_84 {
        %mul3A_90 = arith.constant 2 : i32
        %mul3A_91 = arith.muli %mul3A_90, %while3A_57 : i32
        %add3A_92 = arith.constant 2 : i32
        %add3A_93 = arith.addi %mul3A_91, %add3A_92 : i32
        %mul3A_94 = arith.constant 128 : i32
        %mul3A_95 = arith.muli %add3A_93, %mul3A_94 : i32
        %add3A_96 = arith.addi %mul3A_11, %mul3A_95 : i32
        %mul3A_97 = arith.constant 2 : i32
        %mul3A_98 = arith.muli %add3A_96, %mul3A_97 : i32
        "tpu.region"() ({
          %run_scoped3A = tpu.sem_alloc : memref<!tpu.dma_semaphore, #tpu.memory_space<semaphore_mem>>
          %dma_start3A_110 = tpu.memref_slice %arg3[%mul3A_98] : memref<655360xi32, #tpu.memory_space<hbm>> -> memref<256xi32, #tpu.memory_space<hbm>>
          %dma_start3A_111 = tpu.memref_slice %arg3[%mul3A_98] : memref<655360xi32, #tpu.memory_space<hbm>> -> memref<256xi32, #tpu.memory_space<hbm>>
          tpu.enqueue_dma source(%dma_start3A_111 : memref<256xi32, #tpu.memory_space<hbm>>) target(%arg7 : memref<256xi32, #tpu.memory_space<vmem>>) target_semaphore(%run_scoped3A : memref<!tpu.dma_semaphore, #tpu.memory_space<semaphore_mem>>)
          %dma_wait3A_112 = tpu.memref_slice %arg3[%mul3A_98] : memref<655360xi32, #tpu.memory_space<hbm>> -> memref<256xi32, #tpu.memory_space<hbm>>
          %dma_wait3A_113 = tpu.memref_slice %arg3[%mul3A_98] : memref<655360xi32, #tpu.memory_space<hbm>> -> memref<256xi32, #tpu.memory_space<hbm>>
          tpu.wait_dma2 semaphore(%run_scoped3A : memref<!tpu.dma_semaphore, #tpu.memory_space<semaphore_mem>>) src(%dma_wait3A_113 : memref<256xi32, #tpu.memory_space<hbm>>) dst(%arg7 : memref<256xi32, #tpu.memory_space<vmem>>)
          tpu.yield
        }) : () -> ()
        %scan3A_99 = arith.constant 0 : i32
        %scan3A_100 = arith.constant 0 : i32
        %scan3A_101 = arith.constant 8 : i32
        %scan3A_102 = arith.addi %scan3A_100, %scan3A_101 : i32
        %scan3A_103 = arith.constant 1 : i32
        scf.for %scan3A_110 = %scan3A_100 to %scan3A_102 step %scan3A_103  : i32 {
          %mul3A_111 = arith.constant 16 : i32
          %mul3A_112 = arith.muli %scan3A_110, %mul3A_111 : i32
          %add3A_113 = arith.constant 128 : i32
          %add3A_114 = arith.addi %add3A_113, %mul3A_112 : i32
          %get3A = arith.index_cast %add3A_114 : i32 to index
          %get3A_115 = tpu.vector_load %arg7[%get3A] {strides = array<i32>} : memref<256xi32, #tpu.memory_space<vmem>>, vector<16xi32>,
          %get3A_116 = vector.shape_cast %get3A_115 : vector<16xi32> to vector<16xi32>
          %mul3A_117 = arith.constant 16 : i32
          %mul3A_118 = arith.muli %scan3A_110, %mul3A_117 : i32
          %swap3A = arith.index_cast %mul3A_118 : i32 to index
          %swap3A_119 = tpu.vector_load %arg9[%swap3A] {strides = array<i32>} : memref<128xi32, #tpu.memory_space<vmem>>, vector<16xi32>,
          %swap3A_120 = vector.shape_cast %swap3A_119 : vector<16xi32> to vector<16xi32>
          %swap3A_121 = vector.shape_cast %get3A_116 : vector<16xi32> to vector<16xi32>
          tpu.vector_store %arg9[%swap3A], %swap3A_121 {strides = array<i32>} : memref<128xi32, #tpu.memory_space<vmem>>, vector<16xi32>,
        }
        %scan3A_104 = arith.constant 8 : i32
        %dma_start3A_105 = arith.constant 0 : i32
        %dma_start3A_106 = tpu.memref_slice %arg7[%dma_start3A_105] : memref<256xi32, #tpu.memory_space<vmem>> -> memref<128xi32, #tpu.memory_space<vmem>>
        %dma_start3A_107 = arith.constant 0 : i32
        %dma_start3A_108 = arith.constant 0 : i32
        %dma_start3A_109 = tpu.memref_slice %arg2[%dma_start3A_107, %dma_start3A_108] : memref<10112x128xf32, #tpu.memory_space<hbm>> -> memref<10112x128xf32, #tpu.memory_space<hbm>>
        tpu.enqueue_indirect_dma source(%dma_start3A_109 : memref<10112x128xf32, #tpu.memory_space<hbm>>) target(%arg11 : memref<128x128xf32, #tpu.memory_space<vmem>>) offsets(%dma_start3A_106 : memref<128xi32, #tpu.memory_space<vmem>>) semaphore(%arg13 : memref<!tpu.dma_semaphore, #tpu.memory_space<semaphore_mem>>)
      } else {
      }
      %dma_wait3A_85 = arith.constant 0 : i32
      %dma_wait3A_86 = tpu.memref_slice %arg8[%dma_wait3A_85] : memref<256xi32, #tpu.memory_space<vmem>> -> memref<128xi32, #tpu.memory_space<vmem>>
      %dma_wait3A_87 = arith.constant 0 : i32
      %dma_wait3A_88 = arith.constant 0 : i32
      %dma_wait3A_89 = tpu.memref_slice %arg2[%dma_wait3A_87, %dma_wait3A_88] : memref<10112x128xf32, #tpu.memory_space<hbm>> -> memref<10112x128xf32, #tpu.memory_space<hbm>>
      tpu.wait_indirect_dma semaphore(%arg14 : memref<!tpu.dma_semaphore, #tpu.memory_space<semaphore_mem>>) src(%dma_wait3A_89 : memref<10112x128xf32, #tpu.memory_space<hbm>>) dst(%arg12 : memref<128x128xf32, #tpu.memory_space<vmem>>)
      "tpu.region"() ({
        %run_scoped3A = tpu.sem_alloc : memref<!tpu.dma_semaphore, #tpu.memory_space<semaphore_mem>>
        %dma_start3A_90 = arith.constant 0 : i32
        %dma_start3A_91 = arith.constant 0 : i32
        %dma_start3A_92 = tpu.memref_slice %arg6[%dma_start3A_90, %dma_start3A_91] : memref<10112x128xf32, #tpu.memory_space<vmem_shared>> -> memref<10112x128xf32, #tpu.memory_space<vmem_shared>>
        tpu.enqueue_indirect_dma source(%arg12 : memref<128x128xf32, #tpu.memory_space<vmem>>) target(%dma_start3A_92 : memref<10112x128xf32, #tpu.memory_space<vmem_shared>>) offsets(%arg10 : memref<128xi32, #tpu.memory_space<vmem>>) semaphore(%run_scoped3A : memref<!tpu.dma_semaphore, #tpu.memory_space<semaphore_mem>>) {add = true}
        %dma_wait3A_93 = arith.constant 0 : i32
        %dma_wait3A_94 = arith.constant 0 : i32
        %dma_wait3A_95 = tpu.memref_slice %arg6[%dma_wait3A_93, %dma_wait3A_94] : memref<10112x128xf32, #tpu.memory_space<vmem_shared>> -> memref<10112x128xf32, #tpu.memory_space<vmem_shared>>
        tpu.wait_indirect_dma semaphore(%run_scoped3A : memref<!tpu.dma_semaphore, #tpu.memory_space<semaphore_mem>>) src(%arg12 : memref<128x128xf32, #tpu.memory_space<vmem>>) dst(%dma_wait3A_95 : memref<10112x128xf32, #tpu.memory_space<vmem_shared>>)
        tpu.yield
      }) : () -> ()
    }
    %while3A_51 = arith.constant 1 : i32
    scf.for %while3A_57 = %while3A_49 to %while3A_45 step %while3A_51  : i32 {
      %mul3A_58 = arith.constant 2 : i32
      %mul3A_59 = arith.muli %mul3A_58, %while3A_57 : i32
      %add3A_60 = arith.constant 1 : i32
      %add3A_61 = arith.addi %mul3A_59, %add3A_60 : i32
      %mul3A_62 = arith.constant 128 : i32
      %mul3A_63 = arith.muli %add3A_61, %mul3A_62 : i32
      %add3A_64 = arith.addi %mul3A_11, %mul3A_63 : i32
      %mul3A_65 = arith.constant 2 : i32
      %mul3A_66 = arith.muli %add3A_64, %mul3A_65 : i32
      "tpu.region"() ({
        %run_scoped3A = tpu.sem_alloc : memref<!tpu.dma_semaphore, #tpu.memory_space<semaphore_mem>>
        %dma_start3A_90 = tpu.memref_slice %arg3[%mul3A_66] : memref<655360xi32, #tpu.memory_space<hbm>> -> memref<256xi32, #tpu.memory_space<hbm>>
        %dma_start3A_91 = tpu.memref_slice %arg3[%mul3A_66] : memref<655360xi32, #tpu.memory_space<hbm>> -> memref<256xi32, #tpu.memory_space<hbm>>
        tpu.enqueue_dma source(%dma_start3A_91 : memref<256xi32, #tpu.memory_space<hbm>>) target(%arg8 : memref<256xi32, #tpu.memory_space<vmem>>) target_semaphore(%run_scoped3A : memref<!tpu.dma_semaphore, #tpu.memory_space<semaphore_mem>>)
        %dma_wait3A_92 = tpu.memref_slice %arg3[%mul3A_66] : memref<655360xi32, #tpu.memory_space<hbm>> -> memref<256xi32, #tpu.memory_space<hbm>>
        %dma_wait3A_93 = tpu.memref_slice %arg3[%mul3A_66] : memref<655360xi32, #tpu.memory_space<hbm>> -> memref<256xi32, #tpu.memory_space<hbm>>
        tpu.wait_dma2 semaphore(%run_scoped3A : memref<!tpu.dma_semaphore, #tpu.memory_space<semaphore_mem>>) src(%dma_wait3A_93 : memref<256xi32, #tpu.memory_space<hbm>>) dst(%arg8 : memref<256xi32, #tpu.memory_space<vmem>>)
        tpu.yield
      }) : () -> ()
      %scan3A_67 = arith.constant 0 : i32
      %scan3A_68 = arith.constant 0 : i32
      %scan3A_69 = arith.constant 8 : i32
      %scan3A_70 = arith.addi %scan3A_68, %scan3A_69 : i32
      %scan3A_71 = arith.constant 1 : i32
      scf.for %scan3A_90 = %scan3A_68 to %scan3A_70 step %scan3A_71  : i32 {
        %mul3A_91 = arith.constant 16 : i32
        %mul3A_92 = arith.muli %scan3A_90, %mul3A_91 : i32
        %add3A_93 = arith.constant 128 : i32
        %add3A_94 = arith.addi %add3A_93, %mul3A_92 : i32
        %get3A = arith.index_cast %add3A_94 : i32 to index
        %get3A_95 = tpu.vector_load %arg8[%get3A] {strides = array<i32>} : memref<256xi32, #tpu.memory_space<vmem>>, vector<16xi32>,
        %get3A_96 = vector.shape_cast %get3A_95 : vector<16xi32> to vector<16xi32>
        %mul3A_97 = arith.constant 16 : i32
        %mul3A_98 = arith.muli %scan3A_90, %mul3A_97 : i32
        %swap3A = arith.index_cast %mul3A_98 : i32 to index
        %swap3A_99 = tpu.vector_load %arg10[%swap3A] {strides = array<i32>} : memref<128xi32, #tpu.memory_space<vmem>>, vector<16xi32>,
        %swap3A_100 = vector.shape_cast %swap3A_99 : vector<16xi32> to vector<16xi32>
        %swap3A_101 = vector.shape_cast %get3A_96 : vector<16xi32> to vector<16xi32>
        tpu.vector_store %arg10[%swap3A], %swap3A_101 {strides = array<i32>} : memref<128xi32, #tpu.memory_space<vmem>>, vector<16xi32>,
      }
      %scan3A_72 = arith.constant 8 : i32
      %dma_start3A_73 = arith.constant 0 : i32
      %dma_start3A_74 = tpu.memref_slice %arg8[%dma_start3A_73] : memref<256xi32, #tpu.memory_space<vmem>> -> memref<128xi32, #tpu.memory_space<vmem>>
      %dma_start3A_75 = arith.constant 0 : i32
      %dma_start3A_76 = arith.constant 0 : i32
      %dma_start3A_77 = tpu.memref_slice %arg2[%dma_start3A_75, %dma_start3A_76] : memref<10112x128xf32, #tpu.memory_space<hbm>> -> memref<10112x128xf32, #tpu.memory_space<hbm>>
      tpu.enqueue_indirect_dma source(%dma_start3A_77 : memref<10112x128xf32, #tpu.memory_space<hbm>>) target(%arg12 : memref<128x128xf32, #tpu.memory_space<vmem>>) offsets(%dma_start3A_74 : memref<128xi32, #tpu.memory_space<vmem>>) semaphore(%arg14 : memref<!tpu.dma_semaphore, #tpu.memory_space<semaphore_mem>>)
      %dma_wait3A = arith.constant 0 : i32
      %dma_wait3A_78 = tpu.memref_slice %arg7[%dma_wait3A] : memref<256xi32, #tpu.memory_space<vmem>> -> memref<128xi32, #tpu.memory_space<vmem>>
      %dma_wait3A_79 = arith.constant 0 : i32
      %dma_wait3A_80 = arith.constant 0 : i32
      %dma_wait3A_81 = tpu.memref_slice %arg2[%dma_wait3A_79, %dma_wait3A_80] : memref<10112x128xf32, #tpu.memory_space<hbm>> -> memref<10112x128xf32, #tpu.memory_space<hbm>>
      tpu.wait_indirect_dma semaphore(%arg13 : memref<!tpu.dma_semaphore, #tpu.memory_space<semaphore_mem>>) src(%dma_wait3A_81 : memref<10112x128xf32, #tpu.memory_space<hbm>>) dst(%arg11 : memref<128x128xf32, #tpu.memory_space<vmem>>)
      "tpu.region"() ({
        %run_scoped3A = tpu.sem_alloc : memref<!tpu.dma_semaphore, #tpu.memory_space<semaphore_mem>>
        %dma_start3A_90 = arith.constant 0 : i32
        %dma_start3A_91 = arith.constant 0 : i32
        %dma_start3A_92 = tpu.memref_slice %arg6[%dma_start3A_90, %dma_start3A_91] : memref<10112x128xf32, #tpu.memory_space<vmem_shared>> -> memref<10112x128xf32, #tpu.memory_space<vmem_shared>>
        tpu.enqueue_indirect_dma source(%arg11 : memref<128x128xf32, #tpu.memory_space<vmem>>) target(%dma_start3A_92 : memref<10112x128xf32, #tpu.memory_space<vmem_shared>>) offsets(%arg9 : memref<128xi32, #tpu.memory_space<vmem>>) semaphore(%run_scoped3A : memref<!tpu.dma_semaphore, #tpu.memory_space<semaphore_mem>>) {add = true}
        %dma_wait3A_93 = arith.constant 0 : i32
        %dma_wait3A_94 = arith.constant 0 : i32
        %dma_wait3A_95 = tpu.memref_slice %arg6[%dma_wait3A_93, %dma_wait3A_94] : memref<10112x128xf32, #tpu.memory_space<vmem_shared>> -> memref<10112x128xf32, #tpu.memory_space<vmem_shared>>
        tpu.wait_indirect_dma semaphore(%run_scoped3A : memref<!tpu.dma_semaphore, #tpu.memory_space<semaphore_mem>>) src(%arg11 : memref<128x128xf32, #tpu.memory_space<vmem>>) dst(%dma_wait3A_95 : memref<10112x128xf32, #tpu.memory_space<vmem_shared>>)
        tpu.yield
      }) : () -> ()
      %sub3A_82 = arith.constant 1 : i32
      %sub3A_83 = arith.subi %select_n3A_42, %sub3A_82 : i32
      %lt3A = arith.cmpi slt, %while3A_57, %sub3A_83 : i32
      %convert_element_type3A = arith.extui %lt3A : i1 to i32
      %cond3A = arith.constant 0 : i32
      %cond3A_84 = arith.cmpi ne, %convert_element_type3A, %cond3A : i32
      scf.if %cond3A_84 {
        %mul3A_90 = arith.constant 2 : i32
        %mul3A_91 = arith.muli %mul3A_90, %while3A_57 : i32
        %add3A_92 = arith.constant 2 : i32
        %add3A_93 = arith.addi %mul3A_91, %add3A_92 : i32
        %mul3A_94 = arith.constant 128 : i32
        %mul3A_95 = arith.muli %add3A_93, %mul3A_94 : i32
        %add3A_96 = arith.addi %mul3A_11, %mul3A_95 : i32
        %mul3A_97 = arith.constant 2 : i32
        %mul3A_98 = arith.muli %add3A_96, %mul3A_97 : i32
        "tpu.region"() ({
          %run_scoped3A = tpu.sem_alloc : memref<!tpu.dma_semaphore, #tpu.memory_space<semaphore_mem>>
          %dma_start3A_110 = tpu.memref_slice %arg3[%mul3A_98] : memref<655360xi32, #tpu.memory_space<hbm>> -> memref<256xi32, #tpu.memory_space<hbm>>
          %dma_start3A_111 = tpu.memref_slice %arg3[%mul3A_98] : memref<655360xi32, #tpu.memory_space<hbm>> -> memref<256xi32, #tpu.memory_space<hbm>>
          tpu.enqueue_dma source(%dma_start3A_111 : memref<256xi32, #tpu.memory_space<hbm>>) target(%arg7 : memref<256xi32, #tpu.memory_space<vmem>>) target_semaphore(%run_scoped3A : memref<!tpu.dma_semaphore, #tpu.memory_space<semaphore_mem>>)
          %dma_wait3A_112 = tpu.memref_slice %arg3[%mul3A_98] : memref<655360xi32, #tpu.memory_space<hbm>> -> memref<256xi32, #tpu.memory_space<hbm>>
          %dma_wait3A_113 = tpu.memref_slice %arg3[%mul3A_98] : memref<655360xi32, #tpu.memory_space<hbm>> -> memref<256xi32, #tpu.memory_space<hbm>>
          tpu.wait_dma2 semaphore(%run_scoped3A : memref<!tpu.dma_semaphore, #tpu.memory_space<semaphore_mem>>) src(%dma_wait3A_113 : memref<256xi32, #tpu.memory_space<hbm>>) dst(%arg7 : memref<256xi32, #tpu.memory_space<vmem>>)
          tpu.yield
        }) : () -> ()
        %scan3A_99 = arith.constant 0 : i32
        %scan3A_100 = arith.constant 0 : i32
        %scan3A_101 = arith.constant 8 : i32
        %scan3A_102 = arith.addi %scan3A_100, %scan3A_101 : i32
        %scan3A_103 = arith.constant 1 : i32
        scf.for %scan3A_110 = %scan3A_100 to %scan3A_102 step %scan3A_103  : i32 {
          %mul3A_111 = arith.constant 16 : i32
          %mul3A_112 = arith.muli %scan3A_110, %mul3A_111 : i32
          %add3A_113 = arith.constant 128 : i32
          %add3A_114 = arith.addi %add3A_113, %mul3A_112 : i32
          %get3A = arith.index_cast %add3A_114 : i32 to index
          %get3A_115 = tpu.vector_load %arg7[%get3A] {strides = array<i32>} : memref<256xi32, #tpu.memory_space<vmem>>, vector<16xi32>,
          %get3A_116 = vector.shape_cast %get3A_115 : vector<16xi32> to vector<16xi32>
          %mul3A_117 = arith.constant 16 : i32
          %mul3A_118 = arith.muli %scan3A_110, %mul3A_117 : i32
          %swap3A = arith.index_cast %mul3A_118 : i32 to index
          %swap3A_119 = tpu.vector_load %arg9[%swap3A] {strides = array<i32>} : memref<128xi32, #tpu.memory_space<vmem>>, vector<16xi32>,
          %swap3A_120 = vector.shape_cast %swap3A_119 : vector<16xi32> to vector<16xi32>
          %swap3A_121 = vector.shape_cast %get3A_116 : vector<16xi32> to vector<16xi32>
          tpu.vector_store %arg9[%swap3A], %swap3A_121 {strides = array<i32>} : memref<128xi32, #tpu.memory_space<vmem>>, vector<16xi32>,
        }
        %scan3A_104 = arith.constant 8 : i32
        %dma_start3A_105 = arith.constant 0 : i32
        %dma_start3A_106 = tpu.memref_slice %arg7[%dma_start3A_105] : memref<256xi32, #tpu.memory_space<vmem>> -> memref<128xi32, #tpu.memory_space<vmem>>
        %dma_start3A_107 = arith.constant 0 : i32
        %dma_start3A_108 = arith.constant 0 : i32
        %dma_start3A_109 = tpu.memref_slice %arg2[%dma_start3A_107, %dma_start3A_108] : memref<10112x128xf32, #tpu.memory_space<hbm>> -> memref<10112x128xf32, #tpu.memory_space<hbm>>
        tpu.enqueue_indirect_dma source(%dma_start3A_109 : memref<10112x128xf32, #tpu.memory_space<hbm>>) target(%arg11 : memref<128x128xf32, #tpu.memory_space<vmem>>) offsets(%dma_start3A_106 : memref<128xi32, #tpu.memory_space<vmem>>) semaphore(%arg13 : memref<!tpu.dma_semaphore, #tpu.memory_space<semaphore_mem>>)
      } else {
      }
      %dma_wait3A_85 = arith.constant 0 : i32
      %dma_wait3A_86 = tpu.memref_slice %arg8[%dma_wait3A_85] : memref<256xi32, #tpu.memory_space<vmem>> -> memref<128xi32, #tpu.memory_space<vmem>>
      %dma_wait3A_87 = arith.constant 0 : i32
      %dma_wait3A_88 = arith.constant 0 : i32
      %dma_wait3A_89 = tpu.memref_slice %arg2[%dma_wait3A_87, %dma_wait3A_88] : memref<10112x128xf32, #tpu.memory_space<hbm>> -> memref<10112x128xf32, #tpu.memory_space<hbm>>
      tpu.wait_indirect_dma semaphore(%arg14 : memref<!tpu.dma_semaphore, #tpu.memory_space<semaphore_mem>>) src(%dma_wait3A_89 : memref<10112x128xf32, #tpu.memory_space<hbm>>) dst(%arg12 : memref<128x128xf32, #tpu.memory_space<vmem>>)
      "tpu.region"() ({
        %run_scoped3A = tpu.sem_alloc : memref<!tpu.dma_semaphore, #tpu.memory_space<semaphore_mem>>
        %dma_start3A_90 = arith.constant 0 : i32
        %dma_start3A_91 = arith.constant 0 : i32
        %dma_start3A_92 = tpu.memref_slice %arg6[%dma_start3A_90, %dma_start3A_91] : memref<10112x128xf32, #tpu.memory_space<vmem_shared>> -> memref<10112x128xf32, #tpu.memory_space<vmem_shared>>
        tpu.enqueue_indirect_dma source(%arg12 : memref<128x128xf32, #tpu.memory_space<vmem>>) target(%dma_start3A_92 : memref<10112x128xf32, #tpu.memory_space<vmem_shared>>) offsets(%arg10 : memref<128xi32, #tpu.memory_space<vmem>>) semaphore(%run_scoped3A : memref<!tpu.dma_semaphore, #tpu.memory_space<semaphore_mem>>) {add = true}
        %dma_wait3A_93 = arith.constant 0 : i32
        %dma_wait3A_94 = arith.constant 0 : i32
        %dma_wait3A_95 = tpu.memref_slice %arg6[%dma_wait3A_93, %dma_wait3A_94] : memref<10112x128xf32, #tpu.memory_space<vmem_shared>> -> memref<10112x128xf32, #tpu.memory_space<vmem_shared>>
        tpu.wait_indirect_dma semaphore(%run_scoped3A : memref<!tpu.dma_semaphore, #tpu.memory_space<semaphore_mem>>) src(%arg12 : memref<128x128xf32, #tpu.memory_space<vmem>>) dst(%dma_wait3A_95 : memref<10112x128xf32, #tpu.memory_space<vmem_shared>>)
        tpu.yield
      }) : () -> ()
    }
    %barrier3A_52 = arith.constant 0 : index
    tpu.barrier barrier_id(%barrier3A_52)
    %mul3A_53 = arith.constant 632 : i32
    %mul3A_54 = arith.muli %arg1, %mul3A_53 : i32
    %mul3A_55 = arith.constant 632 : i32
    %mul3A_56 = arith.muli %arg1, %mul3A_55 : i32
    "tpu.region"() ({
      %run_scoped3A = tpu.sem_alloc : memref<!tpu.dma_semaphore, #tpu.memory_space<semaphore_mem>>
      %dma_start3A_57 = arith.constant 0 : i32
      %dma_start3A_58 = tpu.memref_slice %arg5[%arg0, %mul3A_56, %dma_start3A_57] : memref<2x10112x128xf32, #tpu.memory_space<hbm>> -> memref<1x632x128xf32, #tpu.memory_space<hbm>>
      %dma_start3A_59 = tpu.memref_squeeze %dma_start3A_58 : memref<1x632x128xf32, #tpu.memory_space<hbm>> -> memref<632x128xf32, #tpu.memory_space<hbm>>
      %dma_start3A_60 = arith.constant 0 : i32
      %dma_start3A_61 = tpu.memref_slice %arg6[%mul3A_54, %dma_start3A_60] : memref<10112x128xf32, #tpu.memory_space<vmem_shared>> -> memref<632x128xf32, #tpu.memory_space<vmem_shared>>
      tpu.enqueue_dma source(%dma_start3A_61 : memref<632x128xf32, #tpu.memory_space<vmem_shared>>) target(%dma_start3A_59 : memref<632x128xf32, #tpu.memory_space<hbm>>) target_semaphore(%run_scoped3A : memref<!tpu.dma_semaphore, #tpu.memory_space<semaphore_mem>>)
      %dma_wait3A = arith.constant 0 : i32
      %dma_wait3A_62 = tpu.memref_slice %arg5[%arg0, %mul3A_56, %dma_wait3A] : memref<2x10112x128xf32, #tpu.memory_space<hbm>> -> memref<1x632x128xf32, #tpu.memory_space<hbm>>
      %dma_wait3A_63 = tpu.memref_squeeze %dma_wait3A_62 : memref<1x632x128xf32, #tpu.memory_space<hbm>> -> memref<632x128xf32, #tpu.memory_space<hbm>>
      %dma_wait3A_64 = arith.constant 0 : i32
      %dma_wait3A_65 = tpu.memref_slice %arg6[%mul3A_54, %dma_wait3A_64] : memref<10112x128xf32, #tpu.memory_space<vmem_shared>> -> memref<632x128xf32, #tpu.memory_space<vmem_shared>>
      tpu.wait_dma2 semaphore(%run_scoped3A : memref<!tpu.dma_semaphore, #tpu.memory_space<semaphore_mem>>) src(%dma_wait3A_65 : memref<632x128xf32, #tpu.memory_space<vmem_shared>>) dst(%dma_wait3A_63 : memref<632x128xf32, #tpu.memory_space<hbm>>)
      tpu.yield
    }) : () -> ()
    return
  }
}

module attributes {stable_mosaic.version = 14 : i64} {
  func.func @body(%arg0: i32, %arg1: memref<1000x128xf32, #tpu.memory_space<vmem>>, %arg2: memref<128x128xf32, #tpu.memory_space<vmem>>, %arg3: memref<1000x128xf32, #tpu.memory_space<vmem>>) attributes {dimension_semantics = [#tpu.dimension_semantics<arbitrary>], iteration_bounds = array<i64: 10>, scalar_prefetch = 0 : i64, scratch_operands = 0 : i64, tpu.core_type = #tpu.core_type<tc>, window_params = [{transform_indices = @transform_0, window_bounds = array<i64: 1000, 128>}, {pipeline_mode = #tpu.pipeline_mode<synchronous>, transform_indices = @transform_1, window_bounds = array<i64: 128, 128>}, {transform_indices = @transform_2, window_bounds = array<i64: 1000, 128>}]} {
    %get3A = arith.constant 0 : index
    %get3A_0 = arith.constant 0 : index
    %get3A_1 = vector.load %arg1[%get3A, %get3A_0] : memref<1000x128xf32, #tpu.memory_space<vmem>>, vector<1000x128xf32>
    %get3A_2 = arith.constant 0 : index
    %get3A_3 = arith.constant 0 : index
    %get3A_4 = vector.load %arg2[%get3A_2, %get3A_3] : memref<128x128xf32, #tpu.memory_space<vmem>>, vector<128x128xf32>
    %dot_general3A = arith.constant dense<0.000000e+00> : vector<1000x128xf32>
    %dot_general3A_5 = tpu.matmul %get3A_1, %get3A_4, %dot_general3A {dimension_numbers = #tpu.dot_dimension_numbers<[1], [0], [0], [1], [0, 0, 1, 1], [], []>, transpose_lhs_hint = false} : vector<1000x128xf32>, vector<128x128xf32>, vector<1000x128xf32> -> vector<1000x128xf32>
    %swap3A = arith.constant 0 : index
    %swap3A_6 = arith.constant 0 : index
    %swap3A_7 = vector.load %arg3[%swap3A, %swap3A_6] : memref<1000x128xf32, #tpu.memory_space<vmem>>, vector<1000x128xf32>
    tpu.vector_store %arg3[%swap3A, %swap3A_6], %dot_general3A_5 {strides = array<i32>} : memref<1000x128xf32, #tpu.memory_space<vmem>>, vector<1000x128xf32>,
    return
  }
  func.func @transform_0(%arg0: i32) -> (i32, i32) {
    %c0_i32 = arith.constant 0 : i32
    %c0_i32_0 = arith.constant 0 : i32
    return %arg0, %c0_i32 : i32, i32
  }
  func.func @transform_1(%arg0: i32) -> (i32, i32) {
    %c0_i32 = arith.constant 0 : i32
    %c0_i32_0 = arith.constant 0 : i32
    %c0_i32_1 = arith.constant 0 : i32
    return %c0_i32, %c0_i32_0 : i32, i32
  }
  func.func @transform_2(%arg0: i32) -> (i32, i32) {
    %c0_i32 = arith.constant 0 : i32
    %c0_i32_0 = arith.constant 0 : i32
    return %arg0, %c0_i32 : i32, i32
  }
}

module attributes {stable_mosaic.version = 14 : i64} {
  func.func @body(%arg0: i32, %arg1: memref<2x1264x128xf32, #tpu.memory_space<vmem>>, %arg2: memref<1264x1xf32, #tpu.memory_space<vmem>>, %arg3: memref<1264x128xf32, #tpu.memory_space<vmem>>, %arg4: memref<1264x64xf32, #tpu.memory_space<vmem>>) attributes {dimension_semantics = [#tpu.dimension_semantics<arbitrary>], iteration_bounds = array<i64: 8>, scalar_prefetch = 0 : i64, scratch_operands = 0 : i64, tpu.core_type = #tpu.core_type<tc>, window_params = [{transform_indices = @transform_0, window_bounds = array<i64: 2, 1264, 128>}, {transform_indices = @transform_1, window_bounds = array<i64: 1264, 1>}, {transform_indices = @transform_2, window_bounds = array<i64: 1264, 128>}, {transform_indices = @transform_3, window_bounds = array<i64: 1264, 64>}]} {
    %get3A = arith.constant 0 : index
    %get3A_0 = arith.constant 0 : index
    %get3A_1 = arith.constant 0 : index
    %get3A_2 = vector.load %arg1[%get3A, %get3A_0, %get3A_1] : memref<2x1264x128xf32, #tpu.memory_space<vmem>>, vector<1x1264x128xf32>
    %get3A_3 = vector.shape_cast %get3A_2 : vector<1x1264x128xf32> to vector<1264x128xf32>
    %get3A_4 = arith.constant 1 : index
    %get3A_5 = arith.constant 0 : index
    %get3A_6 = arith.constant 0 : index
    %get3A_7 = vector.load %arg1[%get3A_4, %get3A_5, %get3A_6] : memref<2x1264x128xf32, #tpu.memory_space<vmem>>, vector<1x1264x128xf32>
    %get3A_8 = vector.shape_cast %get3A_7 : vector<1x1264x128xf32> to vector<1264x128xf32>
    %add3A = arith.addf %get3A_3, %get3A_8 : vector<1264x128xf32>
    %slice3A = vector.extract_strided_slice %add3A {offsets = [0, 64], sizes = [1264, 64], strides = [1, 1]} : vector<1264x128xf32> to vector<1264x64xf32>
    %get3A_9 = arith.constant 0 : index
    %get3A_10 = arith.constant 0 : index
    %get3A_11 = vector.load %arg2[%get3A_9, %get3A_10] : memref<1264x1xf32, #tpu.memory_space<vmem>>, vector<1264x1xf32>
    %broadcast_in_dim3A = arith.constant 0.000000e+00 : f32
    %broadcast_in_dim3A_12 = vector.broadcast %broadcast_in_dim3A : f32 to vector<1264x63xf32>
    %concatenate3A = tpu.concatenate %slice3A, %get3A_11, %broadcast_in_dim3A_12 in 1 : vector<1264x64xf32>, vector<1264x1xf32>, vector<1264x63xf32> -> vector<1264x128xf32>
    %swap3A = arith.constant 0 : index
    %swap3A_13 = arith.constant 0 : index
    %swap3A_14 = vector.load %arg3[%swap3A, %swap3A_13] : memref<1264x128xf32, #tpu.memory_space<vmem>>, vector<1264x128xf32>
    tpu.vector_store %arg3[%swap3A, %swap3A_13], %concatenate3A {strides = array<i32>} : memref<1264x128xf32, #tpu.memory_space<vmem>>, vector<1264x128xf32>,
    %slice3A_15 = vector.extract_strided_slice %add3A {offsets = [0, 0], sizes = [1264, 64], strides = [1, 1]} : vector<1264x128xf32> to vector<1264x64xf32>
    %swap3A_16 = arith.constant 0 : index
    %swap3A_17 = arith.constant 0 : index
    %swap3A_18 = vector.load %arg4[%swap3A_16, %swap3A_17] : memref<1264x64xf32, #tpu.memory_space<vmem>>, vector<1264x64xf32>
    tpu.vector_store %arg4[%swap3A_16, %swap3A_17], %slice3A_15 {strides = array<i32>} : memref<1264x64xf32, #tpu.memory_space<vmem>>, vector<1264x64xf32>,
    return
  }
  func.func @transform_0(%arg0: i32) -> (i32, i32, i32) {
    %c0_i32 = arith.constant 0 : i32
    %c0_i32_0 = arith.constant 0 : i32
    %c0_i32_1 = arith.constant 0 : i32
    return %c0_i32, %arg0, %c0_i32_0 : i32, i32, i32
  }
  func.func @transform_1(%arg0: i32) -> (i32, i32) {
    %c0_i32 = arith.constant 0 : i32
    %c0_i32_0 = arith.constant 0 : i32
    return %arg0, %c0_i32 : i32, i32
  }
  func.func @transform_2(%arg0: i32) -> (i32, i32) {
    %c0_i32 = arith.constant 0 : i32
    %c0_i32_0 = arith.constant 0 : i32
    return %arg0, %c0_i32 : i32, i32
  }
  func.func @transform_3(%arg0: i32) -> (i32, i32) {
    %c0_i32 = arith.constant 0 : i32
    %c0_i32_0 = arith.constant 0 : i32
    return %arg0, %c0_i32 : i32, i32
  }
}

module attributes {stable_mosaic.version = 14 : i64} {
  func.func @body(%arg0: i32, %arg1: memref<1000x128xf32, #tpu.memory_space<vmem>>, %arg2: memref<1000x64xf32, #tpu.memory_space<vmem>>, %arg3: memref<2x1000x128xf32, #tpu.memory_space<vmem>>, %arg4: memref<128x1xf32, #tpu.memory_space<vmem>>, %arg5: memref<128x64xf32, #tpu.memory_space<vmem>>, %arg6: memref<1x64xf32, #tpu.memory_space<vmem>>, %arg7: memref<1x64xf32, #tpu.memory_space<vmem>>, %arg8: memref<1x64xf32, #tpu.memory_space<vmem>>, %arg9: memref<192x2xf32, #tpu.memory_space<vmem>>, %arg10: memref<1x2xf32, #tpu.memory_space<vmem>>, %arg11: memref<1000x2xf32, #tpu.memory_space<vmem>>) attributes {dimension_semantics = [#tpu.dimension_semantics<arbitrary>], iteration_bounds = array<i64: 10>, scalar_prefetch = 0 : i64, scratch_operands = 0 : i64, tpu.core_type = #tpu.core_type<tc>, window_params = [{transform_indices = @transform_0, window_bounds = array<i64: 1000, 128>}, {transform_indices = @transform_1, window_bounds = array<i64: 1000, 64>}, {transform_indices = @transform_2, window_bounds = array<i64: 2, 1000, 128>}, {pipeline_mode = #tpu.pipeline_mode<synchronous>, transform_indices = @transform_3, window_bounds = array<i64: 128, 1>}, {pipeline_mode = #tpu.pipeline_mode<synchronous>, transform_indices = @transform_4, window_bounds = array<i64: 128, 64>}, {pipeline_mode = #tpu.pipeline_mode<synchronous>, transform_indices = @transform_5, window_bounds = array<i64: 1, 64>}, {pipeline_mode = #tpu.pipeline_mode<synchronous>, transform_indices = @transform_6, window_bounds = array<i64: 1, 64>}, {pipeline_mode = #tpu.pipeline_mode<synchronous>, transform_indices = @transform_7, window_bounds = array<i64: 1, 64>}, {pipeline_mode = #tpu.pipeline_mode<synchronous>, transform_indices = @transform_8, window_bounds = array<i64: 192, 2>}, {pipeline_mode = #tpu.pipeline_mode<synchronous>, transform_indices = @transform_9, window_bounds = array<i64: 1, 2>}, {transform_indices = @transform_10, window_bounds = array<i64: 1000, 2>}]} {
    %get3A = arith.constant 0 : index
    %get3A_0 = arith.constant 0 : index
    %get3A_1 = vector.load %arg1[%get3A, %get3A_0] : memref<1000x128xf32, #tpu.memory_space<vmem>>, vector<1000x128xf32>
    %get3A_2 = arith.constant 0 : index
    %get3A_3 = arith.constant 0 : index
    %get3A_4 = vector.load %arg5[%get3A_2, %get3A_3] : memref<128x64xf32, #tpu.memory_space<vmem>>, vector<128x64xf32>
    %dot_general3A = arith.constant dense<0.000000e+00> : vector<1000x64xf32>
    %dot_general3A_5 = tpu.matmul %get3A_1, %get3A_4, %dot_general3A {dimension_numbers = #tpu.dot_dimension_numbers<[1], [0], [0], [1], [0, 0, 1, 1], [], []>, transpose_lhs_hint = false} : vector<1000x128xf32>, vector<128x64xf32>, vector<1000x64xf32> -> vector<1000x64xf32>
    %get3A_6 = arith.constant 0 : index
    %get3A_7 = arith.constant 0 : index
    %get3A_8 = vector.load %arg6[%get3A_6, %get3A_7] : memref<1x64xf32, #tpu.memory_space<vmem>>, vector<1x64xf32>
    %add3A = vector.broadcast %get3A_8 : vector<1x64xf32> to vector<1000x64xf32>
    %add3A_9 = arith.addf %dot_general3A_5, %add3A : vector<1000x64xf32>
    %max3A = arith.constant 0.000000e+00 : f32
    %max3A_10 = vector.broadcast %max3A : f32 to vector<1000x64xf32>
    %max3A_11 = arith.maximumf %add3A_9, %max3A_10 : vector<1000x64xf32>
    %get3A_12 = arith.constant 0 : index
    %get3A_13 = arith.constant 0 : index
    %get3A_14 = arith.constant 0 : index
    %get3A_15 = vector.load %arg3[%get3A_12, %get3A_13, %get3A_14] : memref<2x1000x128xf32, #tpu.memory_space<vmem>>, vector<1x1000x128xf32>
    %get3A_16 = vector.shape_cast %get3A_15 : vector<1x1000x128xf32> to vector<1000x128xf32>
    %get3A_17 = arith.constant 1 : index
    %get3A_18 = arith.constant 0 : index
    %get3A_19 = arith.constant 0 : index
    %get3A_20 = vector.load %arg3[%get3A_17, %get3A_18, %get3A_19] : memref<2x1000x128xf32, #tpu.memory_space<vmem>>, vector<1x1000x128xf32>
    %get3A_21 = vector.shape_cast %get3A_20 : vector<1x1000x128xf32> to vector<1000x128xf32>
    %add3A_22 = arith.addf %get3A_16, %get3A_21 : vector<1000x128xf32>
    %get3A_23 = arith.constant 0 : index
    %get3A_24 = arith.constant 0 : index
    %get3A_25 = vector.load %arg4[%get3A_23, %get3A_24] : memref<128x1xf32, #tpu.memory_space<vmem>>, vector<128x1xf32>
    %dot_general3A_26 = arith.constant dense<0.000000e+00> : vector<1000x1xf32>
    %dot_general3A_27 = tpu.matmul %add3A_22, %get3A_25, %dot_general3A_26 {dimension_numbers = #tpu.dot_dimension_numbers<[1], [0], [0], [1], [0, 0, 1, 1], [], []>, transpose_lhs_hint = false} : vector<1000x128xf32>, vector<128x1xf32>, vector<1000x1xf32> -> vector<1000x1xf32>
    %max3A_28 = arith.constant 1.000000e+00 : f32
    %max3A_29 = vector.broadcast %max3A_28 : f32 to vector<1000x1xf32>
    %max3A_30 = arith.maximumf %dot_general3A_27, %max3A_29 : vector<1000x1xf32>
    %div3A = arith.constant 1.000000e+00 : f32
    %div3A_31 = vector.broadcast %div3A : f32 to vector<1000x1xf32>
    %div3A_32 = arith.divf %div3A_31, %max3A_30 : vector<1000x1xf32>
    %get3A_33 = arith.constant 0 : index
    %get3A_34 = arith.constant 0 : index
    %get3A_35 = vector.load %arg2[%get3A_33, %get3A_34] : memref<1000x64xf32, #tpu.memory_space<vmem>>, vector<1000x64xf32>
    %mul3A = vector.broadcast %div3A_32 : vector<1000x1xf32> to vector<1000x64xf32>
    %mul3A_36 = arith.mulf %get3A_35, %mul3A : vector<1000x64xf32>
    %get3A_37 = arith.constant 0 : index
    %get3A_38 = arith.constant 0 : index
    %get3A_39 = vector.load %arg7[%get3A_37, %get3A_38] : memref<1x64xf32, #tpu.memory_space<vmem>>, vector<1x64xf32>
    %add3A_40 = vector.broadcast %get3A_39 : vector<1x64xf32> to vector<1000x64xf32>
    %add3A_41 = arith.addf %mul3A_36, %add3A_40 : vector<1000x64xf32>
    %max3A_42 = arith.constant 0.000000e+00 : f32
    %max3A_43 = vector.broadcast %max3A_42 : f32 to vector<1000x64xf32>
    %max3A_44 = arith.maximumf %add3A_41, %max3A_43 : vector<1000x64xf32>
    %slice3A = vector.extract_strided_slice %add3A_22 {offsets = [0, 0], sizes = [1000, 64], strides = [1, 1]} : vector<1000x128xf32> to vector<1000x64xf32>
    %mul3A_45 = arith.mulf %div3A_32, %div3A_32 : vector<1000x1xf32>
    %mul3A_46 = vector.broadcast %mul3A_45 : vector<1000x1xf32> to vector<1000x64xf32>
    %mul3A_47 = arith.mulf %slice3A, %mul3A_46 : vector<1000x64xf32>
    %get3A_48 = arith.constant 0 : index
    %get3A_49 = arith.constant 0 : index
    %get3A_50 = vector.load %arg8[%get3A_48, %get3A_49] : memref<1x64xf32, #tpu.memory_space<vmem>>, vector<1x64xf32>
    %add3A_51 = vector.broadcast %get3A_50 : vector<1x64xf32> to vector<1000x64xf32>
    %add3A_52 = arith.addf %mul3A_47, %add3A_51 : vector<1000x64xf32>
    %max3A_53 = arith.constant 0.000000e+00 : f32
    %max3A_54 = vector.broadcast %max3A_53 : f32 to vector<1000x64xf32>
    %max3A_55 = arith.maximumf %add3A_52, %max3A_54 : vector<1000x64xf32>
    %get3A_56 = arith.constant 0 : index
    %get3A_57 = arith.constant 0 : index
    %get3A_58 = vector.load %arg9[%get3A_56, %get3A_57] : memref<192x2xf32, #tpu.memory_space<vmem>>, vector<192x2xf32>
    %slice3A_59 = vector.extract_strided_slice %get3A_58 {offsets = [0, 0], sizes = [64, 2], strides = [1, 1]} : vector<192x2xf32> to vector<64x2xf32>
    %dot_general3A_60 = arith.constant dense<0.000000e+00> : vector<1000x2xf32>
    %dot_general3A_61 = tpu.matmul %max3A_11, %slice3A_59, %dot_general3A_60 {dimension_numbers = #tpu.dot_dimension_numbers<[1], [0], [0], [1], [0, 0, 1, 1], [], []>, transpose_lhs_hint = false} : vector<1000x64xf32>, vector<64x2xf32>, vector<1000x2xf32> -> vector<1000x2xf32>
    %slice3A_62 = vector.extract_strided_slice %get3A_58 {offsets = [64, 0], sizes = [64, 2], strides = [1, 1]} : vector<192x2xf32> to vector<64x2xf32>
    %dot_general3A_63 = arith.constant dense<0.000000e+00> : vector<1000x2xf32>
    %dot_general3A_64 = tpu.matmul %max3A_44, %slice3A_62, %dot_general3A_63 {dimension_numbers = #tpu.dot_dimension_numbers<[1], [0], [0], [1], [0, 0, 1, 1], [], []>, transpose_lhs_hint = false} : vector<1000x64xf32>, vector<64x2xf32>, vector<1000x2xf32> -> vector<1000x2xf32>
    %add3A_65 = arith.addf %dot_general3A_61, %dot_general3A_64 : vector<1000x2xf32>
    %slice3A_66 = vector.extract_strided_slice %get3A_58 {offsets = [128, 0], sizes = [64, 2], strides = [1, 1]} : vector<192x2xf32> to vector<64x2xf32>
    %dot_general3A_67 = arith.constant dense<0.000000e+00> : vector<1000x2xf32>
    %dot_general3A_68 = tpu.matmul %max3A_55, %slice3A_66, %dot_general3A_67 {dimension_numbers = #tpu.dot_dimension_numbers<[1], [0], [0], [1], [0, 0, 1, 1], [], []>, transpose_lhs_hint = false} : vector<1000x64xf32>, vector<64x2xf32>, vector<1000x2xf32> -> vector<1000x2xf32>
    %add3A_69 = arith.addf %add3A_65, %dot_general3A_68 : vector<1000x2xf32>
    %get3A_70 = arith.constant 0 : index
    %get3A_71 = arith.constant 0 : index
    %get3A_72 = vector.load %arg10[%get3A_70, %get3A_71] : memref<1x2xf32, #tpu.memory_space<vmem>>, vector<1x2xf32>
    %add3A_73 = vector.broadcast %get3A_72 : vector<1x2xf32> to vector<1000x2xf32>
    %add3A_74 = arith.addf %add3A_69, %add3A_73 : vector<1000x2xf32>
    %swap3A = arith.constant 0 : index
    %swap3A_75 = arith.constant 0 : index
    %swap3A_76 = vector.load %arg11[%swap3A, %swap3A_75] : memref<1000x2xf32, #tpu.memory_space<vmem>>, vector<1000x2xf32>
    tpu.vector_store %arg11[%swap3A, %swap3A_75], %add3A_74 {strides = array<i32>} : memref<1000x2xf32, #tpu.memory_space<vmem>>, vector<1000x2xf32>,
    return
  }
  func.func @transform_0(%arg0: i32) -> (i32, i32) {
    %c0_i32 = arith.constant 0 : i32
    %c0_i32_0 = arith.constant 0 : i32
    return %arg0, %c0_i32 : i32, i32
  }
  func.func @transform_1(%arg0: i32) -> (i32, i32) {
    %c0_i32 = arith.constant 0 : i32
    %c0_i32_0 = arith.constant 0 : i32
    return %arg0, %c0_i32 : i32, i32
  }
  func.func @transform_2(%arg0: i32) -> (i32, i32, i32) {
    %c0_i32 = arith.constant 0 : i32
    %c0_i32_0 = arith.constant 0 : i32
    %c0_i32_1 = arith.constant 0 : i32
    return %c0_i32, %arg0, %c0_i32_0 : i32, i32, i32
  }
  func.func @transform_3(%arg0: i32) -> (i32, i32) {
    %c0_i32 = arith.constant 0 : i32
    %c0_i32_0 = arith.constant 0 : i32
    %c0_i32_1 = arith.constant 0 : i32
    return %c0_i32, %c0_i32_0 : i32, i32
  }
  func.func @transform_4(%arg0: i32) -> (i32, i32) {
    %c0_i32 = arith.constant 0 : i32
    %c0_i32_0 = arith.constant 0 : i32
    %c0_i32_1 = arith.constant 0 : i32
    return %c0_i32, %c0_i32_0 : i32, i32
  }
  func.func @transform_5(%arg0: i32) -> (i32, i32) {
    %c0_i32 = arith.constant 0 : i32
    %c0_i32_0 = arith.constant 0 : i32
    %c0_i32_1 = arith.constant 0 : i32
    return %c0_i32, %c0_i32_0 : i32, i32
  }
  func.func @transform_6(%arg0: i32) -> (i32, i32) {
    %c0_i32 = arith.constant 0 : i32
    %c0_i32_0 = arith.constant 0 : i32
    %c0_i32_1 = arith.constant 0 : i32
    return %c0_i32, %c0_i32_0 : i32, i32
  }
  func.func @transform_7(%arg0: i32) -> (i32, i32) {
    %c0_i32 = arith.constant 0 : i32
    %c0_i32_0 = arith.constant 0 : i32
    %c0_i32_1 = arith.constant 0 : i32
    return %c0_i32, %c0_i32_0 : i32, i32
  }
  func.func @transform_8(%arg0: i32) -> (i32, i32) {
    %c0_i32 = arith.constant 0 : i32
    %c0_i32_0 = arith.constant 0 : i32
    %c0_i32_1 = arith.constant 0 : i32
    return %c0_i32, %c0_i32_0 : i32, i32
  }
  func.func @transform_9(%arg0: i32) -> (i32, i32) {
    %c0_i32 = arith.constant 0 : i32
    %c0_i32_0 = arith.constant 0 : i32
    %c0_i32_1 = arith.constant 0 : i32
    return %c0_i32, %c0_i32_0 : i32, i32
  }
  func.func @transform_10(%arg0: i32) -> (i32, i32) {
    %c0_i32 = arith.constant 0 : i32
    %c0_i32_0 = arith.constant 0 : i32
    return %arg0, %c0_i32 : i32, i32
  }
}

</mosaic_0001>

<sc_bundles>
// kernel: kernel.10.cloned.1.call-start
scs
__scs_entry_jumppad:
0x0: {  	(pc) =	sbr.rel $0x88, $3  }
0x1: {  	(tag) =	ssettag $0x0;
	lr =	simm.s32 $0x1  }
0x2: {  	[smem:$0x3F97] =	sst lr;
	_ =	strace $0xD0000000  }
0x3: {  	_ = 	snop  }
0x4: {  	_ = 	snop  }
0x5: {  	_ = 	snop  }
0x6: {  	_ = 	snop  }
0x7: {  	_ = 	snop  }
__scs_overlays_trampoline_lowered:
0x8: {  	[smem:$0x3FA6] =	sst s0  }
0x9: {  	[smem:$0x3FA7] =	sst s1  }
0xa: {  	[smem:$0x3FA8] =	sst s2  }
0xb: {  	[smem:$0x3FA9] =	sst s3  }
0xc: {  	[smem:$0x3FAA] =	sst s4  }
0xd: {  	[smem:$0x3FAB] =	sst s5  }
0xe: {  	[smem:$0x3FAC] =	sst s6  }
0xf: {  	[smem:$0x3FAD] =	sst s7  }
0x10: {  	[smem:$0x3FAE] =	sst s8  }
0x11: {  	[smem:$0x3FAF] =	sst s9;
	s0 =	simm.s32 @!p0 $0x0  }
0x12: {  	s1 =	sld [smem:$0x3F95];
	s0 =	simm.s32 @p0 $0x1  }
0x13: {  	[smem:$0x3FB0] =	sst s0;
	s0 =	simm.s32 @!p1 $0x0  }
0x14: {  	s2 =	sld [smem:$0x3F94];
	s0 =	simm.s32 @p1 $0x1  }
0x15: {  	[smem:$0x3FB1] =	sst s0;
	s0 =	simm.s32 @!p2 $0x0  }
0x16: {  	s3 =	sld [smem:$0x3FDB];
	s0 =	simm.s32 @p2 $0x1  }
0x17: {  	s4 =	simm.s32 $0x1BF5;
	[smem:$0x3FB3] =	sst s0  }
0x18: {  	s0 =	sld [smem:$0x3F96];
	_ =	swait.ge [sflag:s4], $0x0  }
0x19: {  	s7 =	sld [smem:$0x3F97]  }
0x1a: {  	s8 =	sadd.s32 $0xFFFFE003, lr  }
0x1b: {  	s9 =	sadd.s32 $0xFFFFFEF7, lr;
	s5 =	simm.s32 $0xFFFFFFFF;
	p2 =	slt.u32 s8, $0xFFFFF086  }
0x1c: {  	p1 =	slt.u32 s9, $0xF7A;
	s5 =	simm.s32 @!p2 $0x0  }
0x1d: {  	s5 =	simm.s32 @p1 $0x1;
	p0 =	seq.s32 s7, s2  }
0x1e: {  	s7 =	smul.u32 @!p0 $0xF7A, s2;
	p2 =	seq.s32 @!p0 s5, $0x0  }
0x1f: {  	s9 =	smul.u32 $0xF7A, s1;
	s8 =	simm.s32 @!p0 $0x1BF5;
	p2 =	por !p2, p0  }
0x20: {  	[sflag:s8] =	ssyncset.s32 @!p0 $0xFFFFF086;
	s6 =	sadd.s32 @!p0 s3, s7;
	s7 =	simm.s32 @!p0 $0x108  }
0x21: {  	s3 =	sadd.s32 s3, s9;
	s6 =	sadd.s32 @!p0 $0x88, s6;
	s7 =	simm.s32 @p2 $0x1082  }
0x22: {  	[simem:s7], [sflag:s8] =	dma.local @!p0 [hbm:s6], $0xF7A  }
0x23: {  	s9 =	sor.u32 $0xD0000000, s2;
	s6 =	simm.s32 $0x108;
	_ =	swait.ge @!p0 [sflag:s8], $0x0  }
0x24: {  	s3 =	sadd.s32 $0x88, s3;
	s6 =	simm.s32 @!p1 $0x1082;
	[sflag:s4] =	ssyncset.s32 $0xFFFFF086  }
0x25: {  	[simem:s6], [sflag:s4] =	dma.local [hbm:s3], $0xF7A  }
0x26: {  	[smem:$0x3F97] =	sst s1;
	(tag) =	ssettag s2;
	_ =	strace s9  }
0x27: {  	s1 =	sld [smem:$0x3FA7]  }
0x28: {  	s2 =	sld [smem:$0x3FA8]  }
0x29: {  	s4 =	sld [smem:$0x3FAA]  }
0x2a: {  	p0 =	seq.s32 s5, $0x0;
	s5 =	sld [smem:$0x3FAB]  }
0x2b: {  	s6 =	sld [smem:$0x3FAC]  }
0x2c: {  	s7 =	sld [smem:$0x3FAD]  }
0x2d: {  	s3 =	simm.s32 $0x108;
	s8 =	sld [smem:$0x3FAE]  }
0x2e: {  	s3 =	simm.s32 @!p0 $0x1082;
	s9 =	sld [smem:$0x3FAF]  }
0x2f: {  	lr =	sadd.s32 s0, s3;
	s0 =	sld [smem:$0x3FA6]  }
0x30: {  	s3 =	sld [smem:$0x3FA9]  }
0x31: {  	[smem:$0x3FB2] =	sst s10  }
0x32: {  	s10 =	sld [smem:$0x3FB0];
	_ =	sdelay $0x3  }
0x33: {  	p0 =	seq.s32 s10, $0x1;
	s10 =	sld [smem:$0x3FB2];
	_ =	sdelay $0x3  }
0x34: {  	[smem:$0x3FB2] =	sst s10  }
0x35: {  	s10 =	sld [smem:$0x3FB1];
	_ =	sdelay $0x3  }
0x36: {  	p1 =	seq.s32 s10, $0x1;
	s10 =	sld [smem:$0x3FB2];
	_ =	sdelay $0x3  }
0x37: {  	[smem:$0x3FB2] =	sst s10  }
0x38: {  	s10 =	sld [smem:$0x3FB3]  }
0x39: {  	_ = 	snop;
	(pc) =	sbr.ind lr, $3  }
0x3a: {  	_ = 	snop  }
0x3b: {  	_ = 	snop  }
0x3c: {  	p2 =	seq.s32 s10, $0x1;
	s10 =	sld [smem:$0x3FB2]  }
0x3d: {  	_ =	shalt  }
0x3e: {  	_ =	shalt  }
0x3f: {  	_ =	shalt  }
0x40: {  	_ =	shalt  }
0x41: {  	_ =	shalt  }
0x42: {  	_ =	shalt  }
0x43: {  	_ =	shalt  }
0x44: {  	_ =	shalt  }
0x45: {  	_ =	shalt  }
0x46: {  	_ =	shalt  }
0x47: {  	_ =	shalt  }
0x48: {  	_ =	shalt  }
0x49: {  	_ =	shalt  }
0x4a: {  	_ =	shalt  }
0x4b: {  	_ =	shalt  }
0x4c: {  	_ =	shalt  }
0x4d: {  	_ =	shalt  }
0x4e: {  	_ =	shalt  }
0x4f: {  	_ =	shalt  }
0x50: {  	_ =	shalt  }
0x51: {  	_ =	shalt  }
0x52: {  	_ =	shalt  }
0x53: {  	_ =	shalt  }
0x54: {  	_ =	shalt  }
0x55: {  	_ =	shalt  }
0x56: {  	_ =	shalt  }
0x57: {  	_ =	shalt  }
0x58: {  	_ =	shalt  }
0x59: {  	_ =	shalt  }
0x5a: {  	_ =	shalt  }
0x5b: {  	_ =	shalt  }
0x5c: {  	_ =	shalt  }
0x5d: {  	_ =	shalt  }
0x5e: {  	_ =	shalt  }
0x5f: {  	_ =	shalt  }
0x60: {  	_ =	shalt  }
0x61: {  	_ =	shalt  }
0x62: {  	_ =	shalt  }
0x63: {  	_ =	shalt  }
0x64: {  	_ =	shalt  }
0x65: {  	_ =	shalt  }
0x66: {  	_ =	shalt  }
0x67: {  	_ =	shalt  }
0x68: {  	_ =	shalt  }
0x69: {  	_ =	shalt  }
0x6a: {  	_ =	shalt  }
0x6b: {  	_ =	shalt  }
0x6c: {  	_ =	shalt  }
0x6d: {  	_ =	shalt  }
0x6e: {  	_ =	shalt  }
0x6f: {  	_ =	shalt  }
0x70: {  	_ =	shalt  }
0x71: {  	_ =	shalt  }
0x72: {  	_ =	shalt  }
0x73: {  	_ =	shalt  }
0x74: {  	_ =	shalt  }
0x75: {  	_ =	shalt  }
0x76: {  	_ =	shalt  }
0x77: {  	_ =	shalt  }
0x78: {  	_ =	shalt  }
0x79: {  	_ =	shalt  }
0x7a: {  	_ =	shalt  }
0x7b: {  	_ =	shalt  }
0x7c: {  	_ =	shalt  }
0x7d: {  	_ =	shalt  }
0x7e: {  	_ =	shalt  }
0x7f: {  	_ =	shalt  }
0x80: {  	_ =	shalt  }
0x81: {  	_ =	shalt  }
0x82: {  	_ =	shalt  }
0x83: {  	_ =	shalt  }
0x84: {  	_ =	shalt  }
0x85: {  	_ =	shalt  }
0x86: {  	_ =	shalt  }
0x87: {  	_ =	shalt  }
.Lfunc_end0:
.L_simem_size_0:
called_computation.1_lowered:
.L_overlay_start_0:
0x88: {  	s2 =	sld [smem:$0x3FD9]  }
0x89: {  	s3 =	sld [smem:$0x3FFE];
	_ =	sdelay $0x1  }
0x8a: {  	s1 =	srdreg.scid  }
0x8b: {  	s0 =	sand.u32 $0x1, s1  }
0x8c: {  	s16 =	sshll.u32 s0, $0xA;
	s2 =	sadd.s32 s3, s2  }
0x8d: {  	s2 =	sadd.s32 s2, s16  }
0x8e: {  	[smem:$0x3FBE] =	sst s2  }
0x8f: {  	_ = 	snop  }
0x90: {  	(tm) =	ssettm $0x1  }
0x91: {  	s17 =	sld [smem:$0x3FFB];
	_ =	sdelay $0x3  }
0x92: {  	_ =	strace s17  }
0x93: {  	s2 =	sld [smem:$0x3FFC];
	_ =	sdelay $0x3  }
0x94: {  	_ =	strace s2  }
0x95: {  	s2 =	sld [smem:$0x3FFD];
	_ =	sdelay $0x3  }
0x96: {  	_ =	strace s2  }
0x97: {  	_ =	strace $0x8FFFFFFF  }
0x98: {  	s18 =	sld [smem:$0x3FDB];
	_ =	sdelay $0x1  }
0x99: {  	s19 =	simm.s32 $_scs_section_size  }
0x9a: {  	s4 =	simm.s32 $_size__tile_overlayer_lowered;
	s5 =	simm.s32 $_tile_overlayer_lowered  }
0x9b: {  	s22 =	simm.s32 $0x1BFF;
	s21 =	sshll.u32 s5, $0x1;
	s2 =	sadd.s32 s19, s18  }
0x9c: {  	s6 =	simm.s32 $0x0;
	s20 =	sshll.u32 s4, $0x1;
	s4 =	sadd.s32 s21, s2  }
0x9d: {  	[timem:s6], [sflag:s22] =	dma.local [hbm:s4], s20  }
0x9e: {  	_ =	swait.ge [sflag:s22], s20  }
0x9f: {  	s3 =	ssub.s32 $0x0, s20;
	[sflag:s22] =	ssyncset.done $0x0  }
0xa0: {  	[sflag:s22] =	ssyncadd.s32 s3;
	_ =	sdelay $0x1  }
0xa1: {  	s23 =	simm.s32 $0x1B8B  }
0xa2: {  	_ =	swait.ge [sflag:s23], $0x1  }
0xa3: {  	[sflag:s23] =	ssyncset.done $0x0  }
0xa4: {  	s25 =	simm.s32 $0x1B8E;
	s24 =	sld [smem:$0x3FFE];
	[sflag:s23] =	ssyncadd.s32 $0xFFFFFFFF  }
0xa5: {  	s26 =	simm.s32 $execute0_lowered;
	[smem:$0x3FD2] =	sst s25  }
0xa6: {  	s4 =	sshll.u32 s26, $0x1;
	_ =	strace $0x80000049;
	[dreg:$0x1] =	wrdreg $0xFFFFFFFF  }
0xa7: {  	s28 =	simm.s32 $_size_execute0_lowered;
	s2 =	sadd.s32 s2, s4;
	[dreg:$0x0] =	wrdreg $0x0  }
0xa8: {  	s4 =	sshll.u32 s28, $0x1;
	[dreg:$0x2] =	wrdreg s2  }
0xa9: {  	[dreg:$0x3] =	wrdreg s4  }
0xaa: {  	[dreg:$0x4] =	wrdreg $0xC0  }
0xab: {  	_ =	task [dreg:s6], $0x5FFFF  }
0xac: {  	[dreg:$0x1] =	wrdreg $0xFFFFFFFF  }
0xad: {  	[dreg:$0x0] =	wrdreg $0x60  }
0xae: {  	[dreg:$0x2] =	wrdreg s24  }
0xaf: {  	[dreg:$0x3] =	wrdreg $0x0  }
0xb0: {  	[dreg:$0x4] =	wrdreg $0x9  }
0xb1: {  	_ =	task.clear_ibuf [dreg:s6], $0x5FFFF;
	_ =	strace $0x90000049  }
0xb2: {  	s29 =	simm.s32 $0x9;
	_ =	strace $0x8000004B  }
0xb3: {  	_ =	swait.ge [sflag:s29], $0x1  }
0xb4: {  	[sflag:s29] =	ssyncadd.s32 $0xFFFFFFFF  }
0xb5: {  	_ =	strace $0x9000004B  }
0xb6: {  	_ =	sfence  }
0xb7: {  	s30 =	sld [smem:$0x0];
	_ =	sdelay $0x2  }
0xb8: {  	s31 =	sshll.u32 s1, $0xD;
	s1 =	sshrl.u32 s1, $0x2  }
0xb9: {  	s3 =	sand.u32 $0x4000, s31;
	s1 =	sadd.s32 s1, s30  }
0xba: {  	s0 =	sor.u32 s3, s0;
	s1 =	sshll.u32 s1, $0x11  }
0xbb: {  	s0 =	sor.u32 s1, s0  }
0xbc: {  	s0 =	sadd.s32 $0x8F2B, s0  }
0xbd: {  	[sflag:s0] =	ssyncadd.remote.s32 $0x1  }
0xbe: {  	_ =	sfence.sel $0xFFFF  }
0xbf: {  	[dreg:$0x0] =	wrdreg $0xFFFFFFFF;
	(pc) =	sbr.abs _section_cstart, $3  }
0xc0: {  	[dreg:$0x1] =	wrdreg $0xFFFFFFFF  }
0xc1: {  	_ =	task.clear_ibuf [dreg:s6], $0x2FFFF;
	_ =	strace $0x9FFFFFFF  }
0xc2: {  	(tm) =	ssettm $0x7FFFFFFF  }
0xc3: {  	_ =	shalt  }
tec
execute0_lowered:
.L_overlay_start_1:
0x0: {  	(tag) =	ssettag $0x1  }
0x1: {  	s5 =	rddreg [dreg:$0x0]  }
0x2: {  	s0 =	stileid.u32;
	s1 =	srdreg.scid  }
0x3: {  	s2 =	rddreg [dreg:$0x1];
	s3 =	simm.s32 $0x0;
	s10 =	simm.s32 $0x98  }
0x4: {  	s19 =	simm.s32 $0x80;
	s28 =	simm.s32 $0x0;
	s6 =	smul.u32 $0x13C00, s0  }
0x5: {  	s7 =	sand.u32 $0x1, s1;
	[smem:$0x7FF] =	sst s3;
	s21 =	smul.u32 $0x4F000, s0  }
0x6: {  	s4 =	sadd.s32 $0x15E00, s5;
	s15 =	sadd.s32 $0x1E00, s5;
	s8 =	smul.u32 $0x13C000, s7  }
0x7: {  	s24 =	sshll.u32 s0, $0x6;
	_ =	strace $0x8000004A;
	s12 =	smul.u32 $0x980, s7  }
0x8: {  	s20 =	ssub.s32 $0x2, s7;
	p0 =	seq.s32 s7, $0x0;
	s7 =	smul.u32 $0x4C000, s7  }
0x9: {  	s11 =	sshrl.u32 s20, $0x1;
	s10 =	simm.s32 @!p0 $0x8;
	s22 =	sshrl.u32 s21, $0x2  }
0xa: {  	s21 =	simm.s32 $0x13D00;
	s8 =	sadd.s32 s6, s8;
	s6 =	sshrl.u32 s6, $0x3  }
0xb: {  	s11 =	ssub.s32 s20, s11;
	s23 =	smul.u32 s0, s10;
	s16 =	sadd.s32 s22, s2  }
0xc: {  	s25 =	sshrl.u32 s10, $0x1;
	s20 =	simm.s32 $0x13F00;
	s22 =	simm.s32 $0x17F00  }
0xd: {  	s8 =	sshrl.u32 s8, $0x3;
	s6 =	sadd.s32 s6, s5;
	s10 =	smax.u32 s11, $0x1  }
0xe: {  	s29 =	sshll.u32 s25, $0x6;
	s16 =	sshrl.u32 s16, $0x3;
	s9 =	sadd.s32 s8, s5  }
0xf: {  	s5 =	sadd.s32 $0x3D600, s6;
	s12 =	sadd.s32 s12, s23;
	s8 =	sshll.u32 s23, $0x7  }
0x10: {  	s6 =	sor.u32 $0x1C03, s24;
	s11 =	sadd.s32 $0xFFFFFFC0, s29;
	s23 =	simm.s32 $0x1  }
0x11: {  	s24 =	simm.s32 $0x13E00;
	s12 =	sshll.u32 s12, $0x5;
	s13 =	sadd.s32 s7, s8  }
0x12: {  	s8 =	sadd.s32 $0xFFFFFFFF, s25;
	s9 =	sadd.s32 $0x64E00, s9;
	s25 =	simm.s32 $0x2  }
0x13: {  	s7 =	sadd.s32 s15, s12;
	s26 =	sor.u32 $0x200, s13;
	s31 =	sor.u32 $0x180, s13  }
0x14: {  	s17 =	sor.u32 $0x100, s13;
	s13 =	sor.u32 $0x80, s13;
	s14 =	sshrl.u32 s26, $0x2  }
0x15: {  	s17 =	sshrl.u32 s17, $0x2;
	s30 =	sadd.s32 s14, s15;
	s14 =	sshrl.u32 s31, $0x2  }
0x16: {  	s18 =	sshrl.u32 s13, $0x2;
	s26 =	simm.s32 $0x13E80;
	s14 =	sadd.s32 s14, s15  }
0x17: {  	s12 =	sadd.s32 $0xFFFFFFC0, s30;
	s13 =	sadd.s32 $0xFFFFFFC0, s14;
	s14 =	sadd.s32 s17, s15  }
0x18: {  	s15 =	sadd.s32 s18, s15;
	s17 =	simm.s32 $0x3;
	s18 =	simm.s32 $0x13C00  }
.LBB2_1:
0x19: {  	[spmem:s16], [sflag:s6] =	dma.local [hbm:s5], $0x2780  }
0x1a: {  	_ =	swait.ge [sflag:s17], $0x2780  }
0x1b: {  	[sflag:s17] =	ssyncset.done $0x0  }
0x1c: {  	[sflag:s17] =	ssyncadd.s32 $0xFFFFD880  }
0x1d: {  	[bflag:$0x0] =	sbarrier.arrive $0xFFFF  }
0x1e: {  	[tilespmem:s18], [sflag:$0x3] =	stream.linear.gather [hbm4b:s7+s3], $0x100, $0x38;
	[tilespmem:$0x1BF00] =	vst v63  }
0x1f: {  	_ =	swait.ge [sflag:s17], $0x100  }
0x20: {  	[sflag:s17] =	ssyncset.done $0x0  }
0x21: {  	[sflag:s17] =	ssyncadd.s32 $0xFFFFFF00  }
0x22: {  	v0 =	vld [tilespmem:$0x13C80]  }
0x23: {  	v1 =	vld [tilespmem:$0x13C90]  }
0x24: {  	v2 =	vld [tilespmem:$0x13CA0]  }
0x25: {  	v3 =	vld [tilespmem:$0x13CB0]  }
0x26: {  	v4 =	vld [tilespmem:$0x13CC0]  }
0x27: {  	[tilespmem:$0x13E00] =	vst v0;
	v0 =	vld [tilespmem:$0x13CD0]  }
0x28: {  	[tilespmem:$0x13E10] =	vst v1;
	v1 =	vld [tilespmem:$0x13CE0]  }
0x29: {  	[tilespmem:$0x13E20] =	vst v2;
	v2 =	vld [tilespmem:$0x13CF0]  }
0x2a: {  	[tilespmem:$0x13E30] =	vst v3  }
0x2b: {  	[tilespmem:$0x13E40] =	vst v4  }
0x2c: {  	[tilespmem:$0x13E50] =	vst v0  }
0x2d: {  	[tilespmem:$0x13E60] =	vst v1  }
0x2e: {  	[tilespmem:$0x13E70] =	vst v2  }
0x2f: {  	[tilespmem:s20], [sflag:$0x1] =	stream.indirect.gather [hbm4b:s4+s19], $0x80, s18, s19, $0xb8;
	[tilespmem:$0x1BF00] =	vst v63  }
0x30: {  	s29 =	sadd.s32 $0x0, s15  }
0x31: {  	[tilespmem:s21], [sflag:$0x3] =	stream.linear.gather [hbm4b:s29+s3], $0x100, $0x38;
	[tilespmem:$0x1BF00] =	vst v63  }
0x32: {  	_ =	swait.ge [sflag:s17], $0x100  }
0x33: {  	[sflag:s17] =	ssyncset.done $0x0  }
0x34: {  	[sflag:s17] =	ssyncadd.s32 $0xFFFFFF00  }
0x35: {  	v0 =	vld [tilespmem:$0x13DF0]  }
0x36: {  	v1 =	vld [tilespmem:$0x13DD0]  }
0x37: {  	v2 =	vld [tilespmem:$0x13DE0]  }
0x38: {  	v3 =	vld [tilespmem:$0x13DB0]  }
0x39: {  	v4 =	vld [tilespmem:$0x13DC0]  }
0x3a: {  	v5 =	vld [tilespmem:$0x13D80];
	[tilespmem:$0x13EF0] =	vst v0  }
0x3b: {  	v0 =	vld [tilespmem:$0x13DA0];
	[tilespmem:$0x13ED0] =	vst v1  }
0x3c: {  	v1 =	vld [tilespmem:$0x13D90];
	[tilespmem:$0x13EE0] =	vst v2  }
0x3d: {  	[tilespmem:$0x13EB0] =	vst v3  }
0x3e: {  	[tilespmem:$0x13EC0] =	vst v4  }
0x3f: {  	[tilespmem:$0x13E80] =	vst v5  }
0x40: {  	[tilespmem:$0x13EA0] =	vst v0  }
0x41: {  	[tilespmem:$0x13E90] =	vst v1  }
0x42: {  	[tilespmem:s22], [sflag:$0x2] =	stream.indirect.gather [hbm4b:s4+s19], $0x80, s21, s19, $0xb8;
	[tilespmem:$0x1BF00] =	vst v63  }
0x43: {  	_ =	swait.ge [sflag:s23], $0x4000  }
0x44: {  	[sflag:s23] =	ssyncset.done $0x0  }
0x45: {  	[sflag:s23] =	ssyncadd.s32 $0xFFFFC000  }
0x46: {  	[spmem:s2] =	stream.indirect.scatter.add.f32 [tilespmem:s20], [sflag:$0x3], $0x80, s24, s19, $0xb8;
	[tilespmem:$0x1BF00] =	vst v63  }
0x47: {  	_ =	swait.ge [sflag:s17], $0x4000  }
0x48: {  	[sflag:s17] =	ssyncset.done $0x0  }
0x49: {  	s29 =	sadd.s32 $0x0, s14;
	[sflag:s17] =	ssyncadd.s32 $0xFFFFC000  }
0x4a: {  	[tilespmem:s18], [sflag:$0x3] =	stream.linear.gather [hbm4b:s29+s3], $0x100, $0x38;
	[tilespmem:$0x1BF00] =	vst v63  }
0x4b: {  	_ =	swait.ge [sflag:s17], $0x100  }
0x4c: {  	[sflag:s17] =	ssyncset.done $0x0  }
0x4d: {  	p0 =	sne.s32 s11, $0x40;
	[sflag:s17] =	ssyncadd.s32 $0xFFFFFF00  }
.Ltmp0:
0x4e: {  	v4 =	vld [tilespmem:$0x13C80];
	(pc) =	sbr.rel @!p0 .LBB2_3-.Ltmp0, $4  }
0x4f: {  	v2 =	vld [tilespmem:$0x13CF0]  }
0x50: {  	v0 =	vld [tilespmem:$0x13CC0]  }
0x51: {  	v1 =	vld [tilespmem:$0x13CE0]  }
0x52: {  	s30 =	simm.s32 $0x0;
	s29 =	simm.s32 $0x40;
	v3 =	vld [tilespmem:$0x13CD0]  }
.LBB2_2:
0x53: {  	[tilespmem:$0x13E00] =	vst v4;
	v4 =	vld [tilespmem:$0x13C90];
	s30 =	sadd.s32 $0x1, s30;
	s31 =	smov.u32 s29;
	s29 =	sadd.s32 $0x40, s29  }
0x54: {  	p0 =	sne.s32 s11, s29;
	v5 =	vld [tilespmem:$0x13CB0];
	[tilespmem:$0x13E70] =	vst v2  }
0x55: {  	v2 =	vld [tilespmem:$0x13CA0];
	[tilespmem:$0x13E40] =	vst v0  }
0x56: {  	[tilespmem:$0x13E60] =	vst v1  }
0x57: {  	[tilespmem:$0x13E50] =	vst v3  }
0x58: {  	[tilespmem:$0x13E10] =	vst v4  }
0x59: {  	[tilespmem:$0x13E30] =	vst v5  }
0x5a: {  	[tilespmem:$0x13E20] =	vst v2  }
0x5b: {  	[tilespmem:s20], [sflag:$0x1] =	stream.indirect.gather [hbm4b:s4+s19], $0x80, s18, s19, $0xb8;
	[tilespmem:$0x1BF00] =	vst v63  }
0x5c: {  	_ =	swait.ge [sflag:s25], $0x4000  }
0x5d: {  	[sflag:s25] =	ssyncset.done $0x0  }
0x5e: {  	[sflag:s25] =	ssyncadd.s32 $0xFFFFC000  }
0x5f: {  	[spmem:s2] =	stream.indirect.scatter.add.f32 [tilespmem:s22], [sflag:$0x3], $0x80, s26, s19, $0xb8;
	[tilespmem:$0x1BF00] =	vst v63  }
0x60: {  	_ =	swait.ge [sflag:s17], $0x4000  }
0x61: {  	s1 =	sadd.s32 s31, s15;
	[sflag:s17] =	ssyncset.done $0x0  }
0x62: {  	[sflag:s17] =	ssyncadd.s32 $0xFFFFC000  }
0x63: {  	[tilespmem:s21], [sflag:$0x3] =	stream.linear.gather [hbm4b:s1+s3], $0x100, $0x38;
	[tilespmem:$0x1BF00] =	vst v63  }
0x64: {  	_ =	swait.ge [sflag:s17], $0x100  }
0x65: {  	[sflag:s17] =	ssyncset.done $0x0  }
0x66: {  	[sflag:s17] =	ssyncadd.s32 $0xFFFFFF00  }
0x67: {  	v0 =	vld [tilespmem:$0x13DF0]  }
0x68: {  	v1 =	vld [tilespmem:$0x13DD0]  }
0x69: {  	v2 =	vld [tilespmem:$0x13DE0]  }
0x6a: {  	v3 =	vld [tilespmem:$0x13DB0]  }
0x6b: {  	v4 =	vld [tilespmem:$0x13DC0]  }
0x6c: {  	v5 =	vld [tilespmem:$0x13D80];
	[tilespmem:$0x13EF0] =	vst v0  }
0x6d: {  	v0 =	vld [tilespmem:$0x13DA0];
	[tilespmem:$0x13ED0] =	vst v1  }
0x6e: {  	v1 =	vld [tilespmem:$0x13D90];
	[tilespmem:$0x13EE0] =	vst v2  }
0x6f: {  	[tilespmem:$0x13EB0] =	vst v3  }
0x70: {  	[tilespmem:$0x13EC0] =	vst v4  }
0x71: {  	[tilespmem:$0x13E80] =	vst v5  }
0x72: {  	[tilespmem:$0x13EA0] =	vst v0  }
0x73: {  	[tilespmem:$0x13E90] =	vst v1  }
0x74: {  	[tilespmem:s22], [sflag:$0x2] =	stream.indirect.gather [hbm4b:s4+s19], $0x80, s21, s19, $0xb8;
	[tilespmem:$0x1BF00] =	vst v63  }
0x75: {  	_ =	swait.ge [sflag:s23], $0x4000  }
0x76: {  	[sflag:s23] =	ssyncset.done $0x0  }
0x77: {  	[sflag:s23] =	ssyncadd.s32 $0xFFFFC000  }
0x78: {  	[spmem:s2] =	stream.indirect.scatter.add.f32 [tilespmem:s20], [sflag:$0x3], $0x80, s24, s19, $0xb8;
	[tilespmem:$0x1BF00] =	vst v63  }
0x79: {  	_ =	swait.ge [sflag:s17], $0x4000  }
0x7a: {  	[sflag:s17] =	ssyncset.done $0x0  }
0x7b: {  	s1 =	sadd.s32 s31, s14;
	[sflag:s17] =	ssyncadd.s32 $0xFFFFC000  }
0x7c: {  	[tilespmem:s18], [sflag:$0x3] =	stream.linear.gather [hbm4b:s1+s3], $0x100, $0x38;
	[tilespmem:$0x1BF00] =	vst v63  }
0x7d: {  	_ =	swait.ge [sflag:s17], $0x100  }
0x7e: {  	[sflag:s17] =	ssyncset.done $0x0  }
0x7f: {  	[sflag:s17] =	ssyncadd.s32 $0xFFFFFF00  }
.Ltmp1:
0x80: {  	v4 =	vld [tilespmem:$0x13C80];
	(pc) =	sbr.rel @p0 .LBB2_2-.Ltmp1, $4  }
0x81: {  	v2 =	vld [tilespmem:$0x13CF0]  }
0x82: {  	v0 =	vld [tilespmem:$0x13CC0]  }
0x83: {  	v1 =	vld [tilespmem:$0x13CE0]  }
0x84: {  	v3 =	vld [tilespmem:$0x13CD0]  }
.LBB2_3:
0x85: {  	[tilespmem:$0x13E00] =	vst v4;
	v54 =	vld [tilespmem:$0x13C90]  }
0x86: {  	v5 =	vld [tilespmem:$0x13CB0];
	[tilespmem:$0x13E70] =	vst v2  }
0x87: {  	v55 =	vld [tilespmem:$0x13CA0];
	[tilespmem:$0x13E40] =	vst v0  }
0x88: {  	[tilespmem:$0x13E60] =	vst v1  }
0x89: {  	[tilespmem:$0x13E50] =	vst v3  }
0x8a: {  	[tilespmem:$0x13E10] =	vst v54  }
0x8b: {  	[tilespmem:$0x13E30] =	vst v5  }
0x8c: {  	[tilespmem:$0x13E20] =	vst v55  }
0x8d: {  	[tilespmem:s20], [sflag:$0x1] =	stream.indirect.gather [hbm4b:s4+s19], $0x80, s18, s19, $0xb8;
	[tilespmem:$0x1BF00] =	vst v63  }
0x8e: {  	_ =	swait.ge [sflag:s25], $0x4000  }
0x8f: {  	[sflag:s25] =	ssyncset.done $0x0  }
0x90: {  	[sflag:s25] =	ssyncadd.s32 $0xFFFFC000  }
0x91: {  	[spmem:s2] =	stream.indirect.scatter.add.f32 [tilespmem:s22], [sflag:$0x3], $0x80, s26, s19, $0xb8;
	[tilespmem:$0x1BF00] =	vst v63  }
0x92: {  	_ =	swait.ge [sflag:s17], $0x4000  }
0x93: {  	[sflag:s17] =	ssyncset.done $0x0  }
0x94: {  	s1 =	sadd.s32 s29, s13;
	[sflag:s17] =	ssyncadd.s32 $0xFFFFC000  }
0x95: {  	[tilespmem:s21], [sflag:$0x3] =	stream.linear.gather [hbm4b:s1+s3], $0x100, $0x38;
	[tilespmem:$0x1BF00] =	vst v63  }
0x96: {  	_ =	swait.ge [sflag:s17], $0x100  }
0x97: {  	[sflag:s17] =	ssyncset.done $0x0  }
0x98: {  	[sflag:s17] =	ssyncadd.s32 $0xFFFFFF00  }
0x99: {  	v56 =	vld [tilespmem:$0x13D80]  }
0x9a: {  	v57 =	vld [tilespmem:$0x13D90]  }
0x9b: {  	v58 =	vld [tilespmem:$0x13DA0]  }
0x9c: {  	v59 =	vld [tilespmem:$0x13DB0]  }
0x9d: {  	v60 =	vld [tilespmem:$0x13DC0]  }
0x9e: {  	v61 =	vld [tilespmem:$0x13DD0];
	[tilespmem:$0x13E80] =	vst v56  }
0x9f: {  	v62 =	vld [tilespmem:$0x13DE0];
	[tilespmem:$0x13E90] =	vst v57  }
0xa0: {  	v63 =	vld [tilespmem:$0x13DF0];
	[tilespmem:$0x13EA0] =	vst v58  }
0xa1: {  	[tilespmem:$0x13EB0] =	vst v59  }
0xa2: {  	[tilespmem:$0x13EC0] =	vst v60  }
0xa3: {  	[tilespmem:$0x13ED0] =	vst v61  }
0xa4: {  	[tilespmem:$0x13EE0] =	vst v62  }
0xa5: {  	[tilespmem:$0x13EF0] =	vst v63  }
0xa6: {  	[tilespmem:s22], [sflag:$0x2] =	stream.indirect.gather [hbm4b:s4+s19], $0x80, s21, s19, $0xb8;
	[tilespmem:$0x1BF00] =	vst v63  }
0xa7: {  	_ =	swait.ge [sflag:s23], $0x4000  }
0xa8: {  	[sflag:s23] =	ssyncset.done $0x0  }
0xa9: {  	s31 =	sadd.s32 $0x1, s30;
	[sflag:s23] =	ssyncadd.s32 $0xFFFFC000  }
0xaa: {  	[spmem:s2] =	stream.indirect.scatter.add.f32 [tilespmem:s20], [sflag:$0x3], $0x80, s24, s19, $0xb8;
	[tilespmem:$0x1BF00] =	vst v63  }
0xab: {  	p0 =	sge.u32 s31, s8;
	_ =	swait.ge [sflag:s17], $0x4000  }
0xac: {  	s30 =	simm.s32 @!p0 $0x13C00;
	[sflag:s17] =	ssyncset.done $0x0  }
0xad: {  	s1 =	sadd.s32 @!p0 s29, s12;
	s29 =	simm.s32 @!p0 $0x0;
	[sflag:s17] =	ssyncadd.s32 $0xFFFFC000  }
0xae: {  	[tilespmem:s30], [sflag:$0x3] =	stream.linear.gather @!p0 [hbm4b:s1+s29], $0x100, $0x38;
	[tilespmem:$0x1BF00] =	vst v63  }
0xaf: {  	s1 =	simm.s32 @!p0 $0x3  }
0xb0: {  	_ =	swait.ge @!p0 [sflag:s1], $0x100  }
0xb1: {  	[sflag:s1] =	ssyncset.done @!p0 $0x0  }
0xb2: {  	[sflag:s1] =	ssyncadd.s32 @!p0 $0xFFFFFF00  }
0xb3: {  	v0 =	vld @!p0 [tilespmem:$0x13C80]  }
0xb4: {  	v1 =	vld @!p0 [tilespmem:$0x13C90]  }
0xb5: {  	v2 =	vld @!p0 [tilespmem:$0x13CA0]  }
0xb6: {  	v3 =	vld @!p0 [tilespmem:$0x13CB0]  }
0xb7: {  	v4 =	vld @!p0 [tilespmem:$0x13CC0]  }
0xb8: {  	[tilespmem:$0x13E00] =	vst @!p0 v0;
	v0 =	vld @!p0 [tilespmem:$0x13CD0]  }
0xb9: {  	[tilespmem:$0x13E10] =	vst @!p0 v1;
	v1 =	vld @!p0 [tilespmem:$0x13CE0]  }
0xba: {  	[tilespmem:$0x13E20] =	vst @!p0 v2;
	v2 =	vld @!p0 [tilespmem:$0x13CF0]  }
0xbb: {  	[tilespmem:$0x13E30] =	vst @!p0 v3  }
0xbc: {  	[tilespmem:$0x13E40] =	vst @!p0 v4  }
0xbd: {  	[tilespmem:$0x13E50] =	vst @!p0 v0  }
0xbe: {  	[tilespmem:$0x13E60] =	vst @!p0 v1  }
0xbf: {  	s29 =	simm.s32 @!p0 $0x13F00;
	s1 =	simm.s32 @!p0 $0x80;
	[tilespmem:$0x13E70] =	vst @!p0 v2  }
0xc0: {  	[tilespmem:s29], [sflag:$0x1] =	stream.indirect.gather @!p0 [hbm4b:s4+s1], $0x80, s30, s1, $0xb8;
	[tilespmem:$0x1BF00] =	vst v63  }
0xc1: {  	_ =	swait.ge [sflag:s25], $0x4000  }
0xc2: {  	[sflag:s25] =	ssyncset.done $0x0  }
0xc3: {  	[sflag:s25] =	ssyncadd.s32 $0xFFFFC000  }
0xc4: {  	[spmem:s2] =	stream.indirect.scatter.add.f32 [tilespmem:s22], [sflag:$0x3], $0x80, s26, s19, $0xb8;
	[tilespmem:$0x1BF00] =	vst v63  }
0xc5: {  	_ =	swait.ge [sflag:s17], $0x4000  }
0xc6: {  	s28 =	sadd.s32 $0x1, s28;
	[sflag:s17] =	ssyncset.done $0x0  }
0xc7: {  	p0 =	sne.s32 s28, s10;
	[sflag:s17] =	ssyncadd.s32 $0xFFFFC000  }
.Ltmp2:
0xc8: {  	[bflag:$0x0] =	sbarrier.arrive $0xFFFF;
	(pc) =	sbr.rel @p0 .LBB2_1-.Ltmp2, $4  }
0xc9: {  	[hbm:s9], [sflag:s6] =	dma.local [spmem:s16], $0x2780  }
0xca: {  	_ =	swait.ge [sflag:s17], $0x2780  }
0xcb: {  	[sflag:s17] =	ssyncset.done $0x0  }
0xcc: {  	[sflag:s17] =	ssyncadd.s32 $0xFFFFD880  }
0xcd: {  	_ =	sfence.sel $0x180000  }
0xce: {  	[bflag:$0x0] =	sbarrier.arrive $0xFFFF  }
0xcf: {  	_ =	strace $0x9000004A  }
0xd0: {  	[bflag:$0x2] =	sbarrier.arrive $0xFFFF  }
0xd1: {  	p0 =	sne.s32 s0, $0x0;
	s0 =	rddreg [dreg:$0x2]  }
0xd2: {  	s0 =	sadd.s32 @!p0 $0x100000, s0  }
0xd3: {  	[sflag:s0] =	ssyncadd.tile.s32 @!p0 $0x1;
	_ =	shalt  }
.Lfunc_end2:
_tile_overlayer_lowered:
.L_overlay_start_2:
0xd4: {  	(tag) =	ssettag $0x2  }
0xd5: {  	s0 =	rddreg [dreg:$0x0];
	s2 =	stileid.u32  }
0xd6: {  	s1 =	rddreg [dreg:$0x1];
	p0 =	sne.s32 s2, $0x0  }
0xd7: {  	s3 =	rddreg [dreg:$0x2];
	[bflag:$0x3] =	sbarrier.arrive $0xFFFF;
	s2 =	simm.s32 @!p0 $0x1C03  }
0xd8: {  	[timem:s3], [sflag:s2] =	dma.local @!p0 [hbm:s0], s1  }
0xd9: {  	s0 =	simm.s32 @!p0 $0x3  }
0xda: {  	_ =	swait.ge @!p0 [sflag:s0], s1  }
0xdb: {  	s1 =	ssub.s32 @!p0 $0x0, s1;
	[sflag:s0] =	ssyncset.done @!p0 $0x0  }
0xdc: {  	[sflag:s0] =	ssyncadd.s32 @!p0 s1  }
0xdd: {  	[bflag:$0x3] =	sbarrier.arrive $0xFFFF  }
0xde: {  	_ =	shalt  }

// kernel: kernel.7.cloned.1.call-start
scs
__scs_entry_jumppad:
0x0: {  	(pc) =	sbr.rel $0x88, $3  }
0x1: {  	(tag) =	ssettag $0x0;
	lr =	simm.s32 $0x1  }
0x2: {  	[smem:$0x3F97] =	sst lr;
	_ =	strace $0xD0000000  }
0x3: {  	_ = 	snop  }
0x4: {  	_ = 	snop  }
0x5: {  	_ = 	snop  }
0x6: {  	_ = 	snop  }
0x7: {  	_ = 	snop  }
__scs_overlays_trampoline_lowered:
0x8: {  	[smem:$0x3FA6] =	sst s0  }
0x9: {  	[smem:$0x3FA7] =	sst s1  }
0xa: {  	[smem:$0x3FA8] =	sst s2  }
0xb: {  	[smem:$0x3FA9] =	sst s3  }
0xc: {  	[smem:$0x3FAA] =	sst s4  }
0xd: {  	[smem:$0x3FAB] =	sst s5  }
0xe: {  	[smem:$0x3FAC] =	sst s6  }
0xf: {  	[smem:$0x3FAD] =	sst s7  }
0x10: {  	[smem:$0x3FAE] =	sst s8  }
0x11: {  	[smem:$0x3FAF] =	sst s9;
	s0 =	simm.s32 @!p0 $0x0  }
0x12: {  	s1 =	sld [smem:$0x3F95];
	s0 =	simm.s32 @p0 $0x1  }
0x13: {  	[smem:$0x3FB0] =	sst s0;
	s0 =	simm.s32 @!p1 $0x0  }
0x14: {  	s2 =	sld [smem:$0x3F94];
	s0 =	simm.s32 @p1 $0x1  }
0x15: {  	[smem:$0x3FB1] =	sst s0;
	s0 =	simm.s32 @!p2 $0x0  }
0x16: {  	s3 =	sld [smem:$0x3FDB];
	s0 =	simm.s32 @p2 $0x1  }
0x17: {  	s4 =	simm.s32 $0x1BF5;
	[smem:$0x3FB3] =	sst s0  }
0x18: {  	s0 =	sld [smem:$0x3F96];
	_ =	swait.ge [sflag:s4], $0x0  }
0x19: {  	s7 =	sld [smem:$0x3F97]  }
0x1a: {  	s8 =	sadd.s32 $0xFFFFE003, lr  }
0x1b: {  	s9 =	sadd.s32 $0xFFFFFEF7, lr;
	s5 =	simm.s32 $0xFFFFFFFF;
	p2 =	slt.u32 s8, $0xFFFFF086  }
0x1c: {  	p1 =	slt.u32 s9, $0xF7A;
	s5 =	simm.s32 @!p2 $0x0  }
0x1d: {  	s5 =	simm.s32 @p1 $0x1;
	p0 =	seq.s32 s7, s2  }
0x1e: {  	s7 =	smul.u32 @!p0 $0xF7A, s2;
	p2 =	seq.s32 @!p0 s5, $0x0  }
0x1f: {  	s9 =	smul.u32 $0xF7A, s1;
	s8 =	simm.s32 @!p0 $0x1BF5;
	p2 =	por !p2, p0  }
0x20: {  	[sflag:s8] =	ssyncset.s32 @!p0 $0xFFFFF086;
	s6 =	sadd.s32 @!p0 s3, s7;
	s7 =	simm.s32 @!p0 $0x108  }
0x21: {  	s3 =	sadd.s32 s3, s9;
	s6 =	sadd.s32 @!p0 $0x88, s6;
	s7 =	simm.s32 @p2 $0x1082  }
0x22: {  	[simem:s7], [sflag:s8] =	dma.local @!p0 [hbm:s6], $0xF7A  }
0x23: {  	s9 =	sor.u32 $0xD0000000, s2;
	s6 =	simm.s32 $0x108;
	_ =	swait.ge @!p0 [sflag:s8], $0x0  }
0x24: {  	s3 =	sadd.s32 $0x88, s3;
	s6 =	simm.s32 @!p1 $0x1082;
	[sflag:s4] =	ssyncset.s32 $0xFFFFF086  }
0x25: {  	[simem:s6], [sflag:s4] =	dma.local [hbm:s3], $0xF7A  }
0x26: {  	[smem:$0x3F97] =	sst s1;
	(tag) =	ssettag s2;
	_ =	strace s9  }
0x27: {  	s1 =	sld [smem:$0x3FA7]  }
0x28: {  	s2 =	sld [smem:$0x3FA8]  }
0x29: {  	s4 =	sld [smem:$0x3FAA]  }
0x2a: {  	p0 =	seq.s32 s5, $0x0;
	s5 =	sld [smem:$0x3FAB]  }
0x2b: {  	s6 =	sld [smem:$0x3FAC]  }
0x2c: {  	s7 =	sld [smem:$0x3FAD]  }
0x2d: {  	s3 =	simm.s32 $0x108;
	s8 =	sld [smem:$0x3FAE]  }
0x2e: {  	s3 =	simm.s32 @!p0 $0x1082;
	s9 =	sld [smem:$0x3FAF]  }
0x2f: {  	lr =	sadd.s32 s0, s3;
	s0 =	sld [smem:$0x3FA6]  }
0x30: {  	s3 =	sld [smem:$0x3FA9]  }
0x31: {  	[smem:$0x3FB2] =	sst s10  }
0x32: {  	s10 =	sld [smem:$0x3FB0];
	_ =	sdelay $0x3  }
0x33: {  	p0 =	seq.s32 s10, $0x1;
	s10 =	sld [smem:$0x3FB2];
	_ =	sdelay $0x3  }
0x34: {  	[smem:$0x3FB2] =	sst s10  }
0x35: {  	s10 =	sld [smem:$0x3FB1];
	_ =	sdelay $0x3  }
0x36: {  	p1 =	seq.s32 s10, $0x1;
	s10 =	sld [smem:$0x3FB2];
	_ =	sdelay $0x3  }
0x37: {  	[smem:$0x3FB2] =	sst s10  }
0x38: {  	s10 =	sld [smem:$0x3FB3]  }
0x39: {  	_ = 	snop;
	(pc) =	sbr.ind lr, $3  }
0x3a: {  	_ = 	snop  }
0x3b: {  	_ = 	snop  }
0x3c: {  	p2 =	seq.s32 s10, $0x1;
	s10 =	sld [smem:$0x3FB2]  }
0x3d: {  	_ =	shalt  }
0x3e: {  	_ =	shalt  }
0x3f: {  	_ =	shalt  }
0x40: {  	_ =	shalt  }
0x41: {  	_ =	shalt  }
0x42: {  	_ =	shalt  }
0x43: {  	_ =	shalt  }
0x44: {  	_ =	shalt  }
0x45: {  	_ =	shalt  }
0x46: {  	_ =	shalt  }
0x47: {  	_ =	shalt  }
0x48: {  	_ =	shalt  }
0x49: {  	_ =	shalt  }
0x4a: {  	_ =	shalt  }
0x4b: {  	_ =	shalt  }
0x4c: {  	_ =	shalt  }
0x4d: {  	_ =	shalt  }
0x4e: {  	_ =	shalt  }
0x4f: {  	_ =	shalt  }
0x50: {  	_ =	shalt  }
0x51: {  	_ =	shalt  }
0x52: {  	_ =	shalt  }
0x53: {  	_ =	shalt  }
0x54: {  	_ =	shalt  }
0x55: {  	_ =	shalt  }
0x56: {  	_ =	shalt  }
0x57: {  	_ =	shalt  }
0x58: {  	_ =	shalt  }
0x59: {  	_ =	shalt  }
0x5a: {  	_ =	shalt  }
0x5b: {  	_ =	shalt  }
0x5c: {  	_ =	shalt  }
0x5d: {  	_ =	shalt  }
0x5e: {  	_ =	shalt  }
0x5f: {  	_ =	shalt  }
0x60: {  	_ =	shalt  }
0x61: {  	_ =	shalt  }
0x62: {  	_ =	shalt  }
0x63: {  	_ =	shalt  }
0x64: {  	_ =	shalt  }
0x65: {  	_ =	shalt  }
0x66: {  	_ =	shalt  }
0x67: {  	_ =	shalt  }
0x68: {  	_ =	shalt  }
0x69: {  	_ =	shalt  }
0x6a: {  	_ =	shalt  }
0x6b: {  	_ =	shalt  }
0x6c: {  	_ =	shalt  }
0x6d: {  	_ =	shalt  }
0x6e: {  	_ =	shalt  }
0x6f: {  	_ =	shalt  }
0x70: {  	_ =	shalt  }
0x71: {  	_ =	shalt  }
0x72: {  	_ =	shalt  }
0x73: {  	_ =	shalt  }
0x74: {  	_ =	shalt  }
0x75: {  	_ =	shalt  }
0x76: {  	_ =	shalt  }
0x77: {  	_ =	shalt  }
0x78: {  	_ =	shalt  }
0x79: {  	_ =	shalt  }
0x7a: {  	_ =	shalt  }
0x7b: {  	_ =	shalt  }
0x7c: {  	_ =	shalt  }
0x7d: {  	_ =	shalt  }
0x7e: {  	_ =	shalt  }
0x7f: {  	_ =	shalt  }
0x80: {  	_ =	shalt  }
0x81: {  	_ =	shalt  }
0x82: {  	_ =	shalt  }
0x83: {  	_ =	shalt  }
0x84: {  	_ =	shalt  }
0x85: {  	_ =	shalt  }
0x86: {  	_ =	shalt  }
0x87: {  	_ =	shalt  }
.Lfunc_end0:
.L_simem_size_0:
called_computation_lowered:
.L_overlay_start_0:
0x88: {  	s2 =	sld [smem:$0x3FD9]  }
0x89: {  	s3 =	sld [smem:$0x3FFE];
	_ =	sdelay $0x1  }
0x8a: {  	s1 =	srdreg.scid  }
0x8b: {  	s0 =	sand.u32 $0x1, s1  }
0x8c: {  	s16 =	sshll.u32 s0, $0xA;
	s2 =	sadd.s32 s3, s2  }
0x8d: {  	s2 =	sadd.s32 s2, s16  }
0x8e: {  	[smem:$0x3FBE] =	sst s2  }
0x8f: {  	_ = 	snop  }
0x90: {  	(tm) =	ssettm $0x1  }
0x91: {  	s17 =	sld [smem:$0x3FFB];
	_ =	sdelay $0x3  }
0x92: {  	_ =	strace s17  }
0x93: {  	s2 =	sld [smem:$0x3FFC];
	_ =	sdelay $0x3  }
0x94: {  	_ =	strace s2  }
0x95: {  	s2 =	sld [smem:$0x3FFD];
	_ =	sdelay $0x3  }
0x96: {  	_ =	strace s2  }
0x97: {  	_ =	strace $0x8FFFFFFF  }
0x98: {  	s18 =	sld [smem:$0x3FDB];
	_ =	sdelay $0x1  }
0x99: {  	s19 =	simm.s32 $_scs_section_size  }
0x9a: {  	s4 =	simm.s32 $_size__tile_overlayer_lowered;
	s5 =	simm.s32 $_tile_overlayer_lowered  }
0x9b: {  	s22 =	simm.s32 $0x1BFF;
	s21 =	sshll.u32 s5, $0x1;
	s2 =	sadd.s32 s19, s18  }
0x9c: {  	s6 =	simm.s32 $0x0;
	s20 =	sshll.u32 s4, $0x1;
	s4 =	sadd.s32 s21, s2  }
0x9d: {  	[timem:s6], [sflag:s22] =	dma.local [hbm:s4], s20  }
0x9e: {  	_ =	swait.ge [sflag:s22], s20  }
0x9f: {  	s3 =	ssub.s32 $0x0, s20;
	[sflag:s22] =	ssyncset.done $0x0  }
0xa0: {  	[sflag:s22] =	ssyncadd.s32 s3;
	_ =	sdelay $0x1  }
0xa1: {  	s23 =	simm.s32 $0x1B8B  }
0xa2: {  	_ =	swait.ge [sflag:s23], $0x1  }
0xa3: {  	[sflag:s23] =	ssyncset.done $0x0  }
0xa4: {  	s25 =	simm.s32 $0x1B8E;
	s24 =	sld [smem:$0x3FFE];
	[sflag:s23] =	ssyncadd.s32 $0xFFFFFFFF  }
0xa5: {  	s26 =	simm.s32 $execute0_lowered;
	[smem:$0x3FD2] =	sst s25  }
0xa6: {  	s4 =	sshll.u32 s26, $0x1;
	_ =	strace $0x80000046;
	[dreg:$0x1] =	wrdreg $0xFFFFFFFF  }
0xa7: {  	s28 =	simm.s32 $_size_execute0_lowered;
	s2 =	sadd.s32 s2, s4;
	[dreg:$0x0] =	wrdreg $0x0  }
0xa8: {  	s4 =	sshll.u32 s28, $0x1;
	[dreg:$0x2] =	wrdreg s2  }
0xa9: {  	[dreg:$0x3] =	wrdreg s4  }
0xaa: {  	[dreg:$0x4] =	wrdreg $0xC0  }
0xab: {  	_ =	task [dreg:s6], $0x5FFFF  }
0xac: {  	[dreg:$0x1] =	wrdreg $0xFFFFFFFF  }
0xad: {  	[dreg:$0x0] =	wrdreg $0x60  }
0xae: {  	[dreg:$0x2] =	wrdreg s24  }
0xaf: {  	[dreg:$0x3] =	wrdreg $0x0  }
0xb0: {  	[dreg:$0x4] =	wrdreg $0x9  }
0xb1: {  	_ =	task.clear_ibuf [dreg:s6], $0x5FFFF;
	_ =	strace $0x90000046  }
0xb2: {  	s29 =	simm.s32 $0x9;
	_ =	strace $0x80000048  }
0xb3: {  	_ =	swait.ge [sflag:s29], $0x1  }
0xb4: {  	[sflag:s29] =	ssyncadd.s32 $0xFFFFFFFF  }
0xb5: {  	_ =	strace $0x90000048  }
0xb6: {  	_ =	sfence  }
0xb7: {  	s30 =	sld [smem:$0x0];
	_ =	sdelay $0x2  }
0xb8: {  	s31 =	sshll.u32 s1, $0xD;
	s1 =	sshrl.u32 s1, $0x2  }
0xb9: {  	s3 =	sand.u32 $0x4000, s31;
	s1 =	sadd.s32 s1, s30  }
0xba: {  	s0 =	sor.u32 s3, s0;
	s1 =	sshll.u32 s1, $0x11  }
0xbb: {  	s0 =	sor.u32 s1, s0  }
0xbc: {  	s0 =	sadd.s32 $0x8F2B, s0  }
0xbd: {  	[sflag:s0] =	ssyncadd.remote.s32 $0x1  }
0xbe: {  	_ =	sfence.sel $0xFFFF  }
0xbf: {  	[dreg:$0x0] =	wrdreg $0xFFFFFFFF;
	(pc) =	sbr.abs _section_cstart, $3  }
0xc0: {  	[dreg:$0x1] =	wrdreg $0xFFFFFFFF  }
0xc1: {  	_ =	task.clear_ibuf [dreg:s6], $0x2FFFF;
	_ =	strace $0x9FFFFFFF  }
0xc2: {  	(tm) =	ssettm $0x7FFFFFFF  }
0xc3: {  	_ =	shalt  }
tec
execute0_lowered:
.L_overlay_start_1:
0x0: {  	(tag) =	ssettag $0x1  }
0x1: {  	s5 =	rddreg [dreg:$0x0]  }
0x2: {  	s0 =	stileid.u32;
	s1 =	srdreg.scid  }
0x3: {  	s2 =	rddreg [dreg:$0x1];
	s3 =	simm.s32 $0x0;
	s10 =	simm.s32 $0x98  }
0x4: {  	s19 =	simm.s32 $0x80;
	s28 =	simm.s32 $0x0;
	s6 =	smul.u32 $0x13C00, s0  }
0x5: {  	s7 =	sand.u32 $0x1, s1;
	[smem:$0x7FF] =	sst s3;
	s21 =	smul.u32 $0x4F000, s0  }
0x6: {  	s4 =	sadd.s32 $0x15E00, s5;
	s15 =	sadd.s32 $0x1E00, s5;
	s8 =	smul.u32 $0x13C000, s7  }
0x7: {  	s24 =	sshll.u32 s0, $0x6;
	_ =	strace $0x80000047;
	s12 =	smul.u32 $0x980, s7  }
0x8: {  	s20 =	ssub.s32 $0x2, s7;
	p0 =	seq.s32 s7, $0x0;
	s7 =	smul.u32 $0x4C000, s7  }
0x9: {  	s11 =	sshrl.u32 s20, $0x1;
	s10 =	simm.s32 @!p0 $0x8;
	s22 =	sshrl.u32 s21, $0x2  }
0xa: {  	s21 =	simm.s32 $0x13D00;
	s8 =	sadd.s32 s6, s8;
	s6 =	sshrl.u32 s6, $0x3  }
0xb: {  	s11 =	ssub.s32 s20, s11;
	s23 =	smul.u32 s0, s10;
	s16 =	sadd.s32 s22, s2  }
0xc: {  	s25 =	sshrl.u32 s10, $0x1;
	s20 =	simm.s32 $0x13F00;
	s22 =	simm.s32 $0x17F00  }
0xd: {  	s8 =	sshrl.u32 s8, $0x3;
	s6 =	sadd.s32 s6, s5;
	s10 =	smax.u32 s11, $0x1  }
0xe: {  	s29 =	sshll.u32 s25, $0x6;
	s16 =	sshrl.u32 s16, $0x3;
	s9 =	sadd.s32 s8, s5  }
0xf: {  	s5 =	sadd.s32 $0x3D600, s6;
	s12 =	sadd.s32 s12, s23;
	s8 =	sshll.u32 s23, $0x7  }
0x10: {  	s6 =	sor.u32 $0x1C03, s24;
	s11 =	sadd.s32 $0xFFFFFFC0, s29;
	s23 =	simm.s32 $0x1  }
0x11: {  	s24 =	simm.s32 $0x13E00;
	s12 =	sshll.u32 s12, $0x5;
	s13 =	sadd.s32 s7, s8  }
0x12: {  	s8 =	sadd.s32 $0xFFFFFFFF, s25;
	s9 =	sadd.s32 $0x64E00, s9;
	s25 =	simm.s32 $0x2  }
0x13: {  	s7 =	sadd.s32 s15, s12;
	s26 =	sor.u32 $0x200, s13;
	s31 =	sor.u32 $0x180, s13  }
0x14: {  	s17 =	sor.u32 $0x100, s13;
	s13 =	sor.u32 $0x80, s13;
	s14 =	sshrl.u32 s26, $0x2  }
0x15: {  	s17 =	sshrl.u32 s17, $0x2;
	s30 =	sadd.s32 s14, s15;
	s14 =	sshrl.u32 s31, $0x2  }
0x16: {  	s18 =	sshrl.u32 s13, $0x2;
	s26 =	simm.s32 $0x13E80;
	s14 =	sadd.s32 s14, s15  }
0x17: {  	s12 =	sadd.s32 $0xFFFFFFC0, s30;
	s13 =	sadd.s32 $0xFFFFFFC0, s14;
	s14 =	sadd.s32 s17, s15  }
0x18: {  	s15 =	sadd.s32 s18, s15;
	s17 =	simm.s32 $0x3;
	s18 =	simm.s32 $0x13C00  }
.LBB2_1:
0x19: {  	[spmem:s16], [sflag:s6] =	dma.local [hbm:s5], $0x2780  }
0x1a: {  	_ =	swait.ge [sflag:s17], $0x2780  }
0x1b: {  	[sflag:s17] =	ssyncset.done $0x0  }
0x1c: {  	[sflag:s17] =	ssyncadd.s32 $0xFFFFD880  }
0x1d: {  	[bflag:$0x0] =	sbarrier.arrive $0xFFFF  }
0x1e: {  	[tilespmem:s18], [sflag:$0x3] =	stream.linear.gather [hbm4b:s7+s3], $0x100, $0x38;
	[tilespmem:$0x1BF00] =	vst v63  }
0x1f: {  	_ =	swait.ge [sflag:s17], $0x100  }
0x20: {  	[sflag:s17] =	ssyncset.done $0x0  }
0x21: {  	[sflag:s17] =	ssyncadd.s32 $0xFFFFFF00  }
0x22: {  	v0 =	vld [tilespmem:$0x13C80]  }
0x23: {  	v1 =	vld [tilespmem:$0x13C90]  }
0x24: {  	v2 =	vld [tilespmem:$0x13CA0]  }
0x25: {  	v3 =	vld [tilespmem:$0x13CB0]  }
0x26: {  	v4 =	vld [tilespmem:$0x13CC0]  }
0x27: {  	[tilespmem:$0x13E00] =	vst v0;
	v0 =	vld [tilespmem:$0x13CD0]  }
0x28: {  	[tilespmem:$0x13E10] =	vst v1;
	v1 =	vld [tilespmem:$0x13CE0]  }
0x29: {  	[tilespmem:$0x13E20] =	vst v2;
	v2 =	vld [tilespmem:$0x13CF0]  }
0x2a: {  	[tilespmem:$0x13E30] =	vst v3  }
0x2b: {  	[tilespmem:$0x13E40] =	vst v4  }
0x2c: {  	[tilespmem:$0x13E50] =	vst v0  }
0x2d: {  	[tilespmem:$0x13E60] =	vst v1  }
0x2e: {  	[tilespmem:$0x13E70] =	vst v2  }
0x2f: {  	[tilespmem:s20], [sflag:$0x1] =	stream.indirect.gather [hbm4b:s4+s19], $0x80, s18, s19, $0xb8;
	[tilespmem:$0x1BF00] =	vst v63  }
0x30: {  	s29 =	sadd.s32 $0x0, s15  }
0x31: {  	[tilespmem:s21], [sflag:$0x3] =	stream.linear.gather [hbm4b:s29+s3], $0x100, $0x38;
	[tilespmem:$0x1BF00] =	vst v63  }
0x32: {  	_ =	swait.ge [sflag:s17], $0x100  }
0x33: {  	[sflag:s17] =	ssyncset.done $0x0  }
0x34: {  	[sflag:s17] =	ssyncadd.s32 $0xFFFFFF00  }
0x35: {  	v0 =	vld [tilespmem:$0x13DF0]  }
0x36: {  	v1 =	vld [tilespmem:$0x13DD0]  }
0x37: {  	v2 =	vld [tilespmem:$0x13DE0]  }
0x38: {  	v3 =	vld [tilespmem:$0x13DB0]  }
0x39: {  	v4 =	vld [tilespmem:$0x13DC0]  }
0x3a: {  	v5 =	vld [tilespmem:$0x13D80];
	[tilespmem:$0x13EF0] =	vst v0  }
0x3b: {  	v0 =	vld [tilespmem:$0x13DA0];
	[tilespmem:$0x13ED0] =	vst v1  }
0x3c: {  	v1 =	vld [tilespmem:$0x13D90];
	[tilespmem:$0x13EE0] =	vst v2  }
0x3d: {  	[tilespmem:$0x13EB0] =	vst v3  }
0x3e: {  	[tilespmem:$0x13EC0] =	vst v4  }
0x3f: {  	[tilespmem:$0x13E80] =	vst v5  }
0x40: {  	[tilespmem:$0x13EA0] =	vst v0  }
0x41: {  	[tilespmem:$0x13E90] =	vst v1  }
0x42: {  	[tilespmem:s22], [sflag:$0x2] =	stream.indirect.gather [hbm4b:s4+s19], $0x80, s21, s19, $0xb8;
	[tilespmem:$0x1BF00] =	vst v63  }
0x43: {  	_ =	swait.ge [sflag:s23], $0x4000  }
0x44: {  	[sflag:s23] =	ssyncset.done $0x0  }
0x45: {  	[sflag:s23] =	ssyncadd.s32 $0xFFFFC000  }
0x46: {  	[spmem:s2] =	stream.indirect.scatter.add.f32 [tilespmem:s20], [sflag:$0x3], $0x80, s24, s19, $0xb8;
	[tilespmem:$0x1BF00] =	vst v63  }
0x47: {  	_ =	swait.ge [sflag:s17], $0x4000  }
0x48: {  	[sflag:s17] =	ssyncset.done $0x0  }
0x49: {  	s29 =	sadd.s32 $0x0, s14;
	[sflag:s17] =	ssyncadd.s32 $0xFFFFC000  }
0x4a: {  	[tilespmem:s18], [sflag:$0x3] =	stream.linear.gather [hbm4b:s29+s3], $0x100, $0x38;
	[tilespmem:$0x1BF00] =	vst v63  }
0x4b: {  	_ =	swait.ge [sflag:s17], $0x100  }
0x4c: {  	[sflag:s17] =	ssyncset.done $0x0  }
0x4d: {  	p0 =	sne.s32 s11, $0x40;
	[sflag:s17] =	ssyncadd.s32 $0xFFFFFF00  }
.Ltmp0:
0x4e: {  	v4 =	vld [tilespmem:$0x13C80];
	(pc) =	sbr.rel @!p0 .LBB2_3-.Ltmp0, $4  }
0x4f: {  	v2 =	vld [tilespmem:$0x13CF0]  }
0x50: {  	v0 =	vld [tilespmem:$0x13CC0]  }
0x51: {  	v1 =	vld [tilespmem:$0x13CE0]  }
0x52: {  	s30 =	simm.s32 $0x0;
	s29 =	simm.s32 $0x40;
	v3 =	vld [tilespmem:$0x13CD0]  }
.LBB2_2:
0x53: {  	[tilespmem:$0x13E00] =	vst v4;
	v4 =	vld [tilespmem:$0x13C90];
	s30 =	sadd.s32 $0x1, s30;
	s31 =	smov.u32 s29;
	s29 =	sadd.s32 $0x40, s29  }
0x54: {  	p0 =	sne.s32 s11, s29;
	v5 =	vld [tilespmem:$0x13CB0];
	[tilespmem:$0x13E70] =	vst v2  }
0x55: {  	v2 =	vld [tilespmem:$0x13CA0];
	[tilespmem:$0x13E40] =	vst v0  }
0x56: {  	[tilespmem:$0x13E60] =	vst v1  }
0x57: {  	[tilespmem:$0x13E50] =	vst v3  }
0x58: {  	[tilespmem:$0x13E10] =	vst v4  }
0x59: {  	[tilespmem:$0x13E30] =	vst v5  }
0x5a: {  	[tilespmem:$0x13E20] =	vst v2  }
0x5b: {  	[tilespmem:s20], [sflag:$0x1] =	stream.indirect.gather [hbm4b:s4+s19], $0x80, s18, s19, $0xb8;
	[tilespmem:$0x1BF00] =	vst v63  }
0x5c: {  	_ =	swait.ge [sflag:s25], $0x4000  }
0x5d: {  	[sflag:s25] =	ssyncset.done $0x0  }
0x5e: {  	[sflag:s25] =	ssyncadd.s32 $0xFFFFC000  }
0x5f: {  	[spmem:s2] =	stream.indirect.scatter.add.f32 [tilespmem:s22], [sflag:$0x3], $0x80, s26, s19, $0xb8;
	[tilespmem:$0x1BF00] =	vst v63  }
0x60: {  	_ =	swait.ge [sflag:s17], $0x4000  }
0x61: {  	s1 =	sadd.s32 s31, s15;
	[sflag:s17] =	ssyncset.done $0x0  }
0x62: {  	[sflag:s17] =	ssyncadd.s32 $0xFFFFC000  }
0x63: {  	[tilespmem:s21], [sflag:$0x3] =	stream.linear.gather [hbm4b:s1+s3], $0x100, $0x38;
	[tilespmem:$0x1BF00] =	vst v63  }
0x64: {  	_ =	swait.ge [sflag:s17], $0x100  }
0x65: {  	[sflag:s17] =	ssyncset.done $0x0  }
0x66: {  	[sflag:s17] =	ssyncadd.s32 $0xFFFFFF00  }
0x67: {  	v0 =	vld [tilespmem:$0x13DF0]  }
0x68: {  	v1 =	vld [tilespmem:$0x13DD0]  }
0x69: {  	v2 =	vld [tilespmem:$0x13DE0]  }
0x6a: {  	v3 =	vld [tilespmem:$0x13DB0]  }
0x6b: {  	v4 =	vld [tilespmem:$0x13DC0]  }
0x6c: {  	v5 =	vld [tilespmem:$0x13D80];
	[tilespmem:$0x13EF0] =	vst v0  }
0x6d: {  	v0 =	vld [tilespmem:$0x13DA0];
	[tilespmem:$0x13ED0] =	vst v1  }
0x6e: {  	v1 =	vld [tilespmem:$0x13D90];
	[tilespmem:$0x13EE0] =	vst v2  }
0x6f: {  	[tilespmem:$0x13EB0] =	vst v3  }
0x70: {  	[tilespmem:$0x13EC0] =	vst v4  }
0x71: {  	[tilespmem:$0x13E80] =	vst v5  }
0x72: {  	[tilespmem:$0x13EA0] =	vst v0  }
0x73: {  	[tilespmem:$0x13E90] =	vst v1  }
0x74: {  	[tilespmem:s22], [sflag:$0x2] =	stream.indirect.gather [hbm4b:s4+s19], $0x80, s21, s19, $0xb8;
	[tilespmem:$0x1BF00] =	vst v63  }
0x75: {  	_ =	swait.ge [sflag:s23], $0x4000  }
0x76: {  	[sflag:s23] =	ssyncset.done $0x0  }
0x77: {  	[sflag:s23] =	ssyncadd.s32 $0xFFFFC000  }
0x78: {  	[spmem:s2] =	stream.indirect.scatter.add.f32 [tilespmem:s20], [sflag:$0x3], $0x80, s24, s19, $0xb8;
	[tilespmem:$0x1BF00] =	vst v63  }
0x79: {  	_ =	swait.ge [sflag:s17], $0x4000  }
0x7a: {  	[sflag:s17] =	ssyncset.done $0x0  }
0x7b: {  	s1 =	sadd.s32 s31, s14;
	[sflag:s17] =	ssyncadd.s32 $0xFFFFC000  }
0x7c: {  	[tilespmem:s18], [sflag:$0x3] =	stream.linear.gather [hbm4b:s1+s3], $0x100, $0x38;
	[tilespmem:$0x1BF00] =	vst v63  }
0x7d: {  	_ =	swait.ge [sflag:s17], $0x100  }
0x7e: {  	[sflag:s17] =	ssyncset.done $0x0  }
0x7f: {  	[sflag:s17] =	ssyncadd.s32 $0xFFFFFF00  }
.Ltmp1:
0x80: {  	v4 =	vld [tilespmem:$0x13C80];
	(pc) =	sbr.rel @p0 .LBB2_2-.Ltmp1, $4  }
0x81: {  	v2 =	vld [tilespmem:$0x13CF0]  }
0x82: {  	v0 =	vld [tilespmem:$0x13CC0]  }
0x83: {  	v1 =	vld [tilespmem:$0x13CE0]  }
0x84: {  	v3 =	vld [tilespmem:$0x13CD0]  }
.LBB2_3:
0x85: {  	[tilespmem:$0x13E00] =	vst v4;
	v54 =	vld [tilespmem:$0x13C90]  }
0x86: {  	v5 =	vld [tilespmem:$0x13CB0];
	[tilespmem:$0x13E70] =	vst v2  }
0x87: {  	v55 =	vld [tilespmem:$0x13CA0];
	[tilespmem:$0x13E40] =	vst v0  }
0x88: {  	[tilespmem:$0x13E60] =	vst v1  }
0x89: {  	[tilespmem:$0x13E50] =	vst v3  }
0x8a: {  	[tilespmem:$0x13E10] =	vst v54  }
0x8b: {  	[tilespmem:$0x13E30] =	vst v5  }
0x8c: {  	[tilespmem:$0x13E20] =	vst v55  }
0x8d: {  	[tilespmem:s20], [sflag:$0x1] =	stream.indirect.gather [hbm4b:s4+s19], $0x80, s18, s19, $0xb8;
	[tilespmem:$0x1BF00] =	vst v63  }
0x8e: {  	_ =	swait.ge [sflag:s25], $0x4000  }
0x8f: {  	[sflag:s25] =	ssyncset.done $0x0  }
0x90: {  	[sflag:s25] =	ssyncadd.s32 $0xFFFFC000  }
0x91: {  	[spmem:s2] =	stream.indirect.scatter.add.f32 [tilespmem:s22], [sflag:$0x3], $0x80, s26, s19, $0xb8;
	[tilespmem:$0x1BF00] =	vst v63  }
0x92: {  	_ =	swait.ge [sflag:s17], $0x4000  }
0x93: {  	[sflag:s17] =	ssyncset.done $0x0  }
0x94: {  	s1 =	sadd.s32 s29, s13;
	[sflag:s17] =	ssyncadd.s32 $0xFFFFC000  }
0x95: {  	[tilespmem:s21], [sflag:$0x3] =	stream.linear.gather [hbm4b:s1+s3], $0x100, $0x38;
	[tilespmem:$0x1BF00] =	vst v63  }
0x96: {  	_ =	swait.ge [sflag:s17], $0x100  }
0x97: {  	[sflag:s17] =	ssyncset.done $0x0  }
0x98: {  	[sflag:s17] =	ssyncadd.s32 $0xFFFFFF00  }
0x99: {  	v56 =	vld [tilespmem:$0x13D80]  }
0x9a: {  	v57 =	vld [tilespmem:$0x13D90]  }
0x9b: {  	v58 =	vld [tilespmem:$0x13DA0]  }
0x9c: {  	v59 =	vld [tilespmem:$0x13DB0]  }
0x9d: {  	v60 =	vld [tilespmem:$0x13DC0]  }
0x9e: {  	v61 =	vld [tilespmem:$0x13DD0];
	[tilespmem:$0x13E80] =	vst v56  }
0x9f: {  	v62 =	vld [tilespmem:$0x13DE0];
	[tilespmem:$0x13E90] =	vst v57  }
0xa0: {  	v63 =	vld [tilespmem:$0x13DF0];
	[tilespmem:$0x13EA0] =	vst v58  }
0xa1: {  	[tilespmem:$0x13EB0] =	vst v59  }
0xa2: {  	[tilespmem:$0x13EC0] =	vst v60  }
0xa3: {  	[tilespmem:$0x13ED0] =	vst v61  }
0xa4: {  	[tilespmem:$0x13EE0] =	vst v62  }
0xa5: {  	[tilespmem:$0x13EF0] =	vst v63  }
0xa6: {  	[tilespmem:s22], [sflag:$0x2] =	stream.indirect.gather [hbm4b:s4+s19], $0x80, s21, s19, $0xb8;
	[tilespmem:$0x1BF00] =	vst v63  }
0xa7: {  	_ =	swait.ge [sflag:s23], $0x4000  }
0xa8: {  	[sflag:s23] =	ssyncset.done $0x0  }
0xa9: {  	s31 =	sadd.s32 $0x1, s30;
	[sflag:s23] =	ssyncadd.s32 $0xFFFFC000  }
0xaa: {  	[spmem:s2] =	stream.indirect.scatter.add.f32 [tilespmem:s20], [sflag:$0x3], $0x80, s24, s19, $0xb8;
	[tilespmem:$0x1BF00] =	vst v63  }
0xab: {  	p0 =	sge.u32 s31, s8;
	_ =	swait.ge [sflag:s17], $0x4000  }
0xac: {  	s30 =	simm.s32 @!p0 $0x13C00;
	[sflag:s17] =	ssyncset.done $0x0  }
0xad: {  	s1 =	sadd.s32 @!p0 s29, s12;
	s29 =	simm.s32 @!p0 $0x0;
	[sflag:s17] =	ssyncadd.s32 $0xFFFFC000  }
0xae: {  	[tilespmem:s30], [sflag:$0x3] =	stream.linear.gather @!p0 [hbm4b:s1+s29], $0x100, $0x38;
	[tilespmem:$0x1BF00] =	vst v63  }
0xaf: {  	s1 =	simm.s32 @!p0 $0x3  }
0xb0: {  	_ =	swait.ge @!p0 [sflag:s1], $0x100  }
0xb1: {  	[sflag:s1] =	ssyncset.done @!p0 $0x0  }
0xb2: {  	[sflag:s1] =	ssyncadd.s32 @!p0 $0xFFFFFF00  }
0xb3: {  	v0 =	vld @!p0 [tilespmem:$0x13C80]  }
0xb4: {  	v1 =	vld @!p0 [tilespmem:$0x13C90]  }
0xb5: {  	v2 =	vld @!p0 [tilespmem:$0x13CA0]  }
0xb6: {  	v3 =	vld @!p0 [tilespmem:$0x13CB0]  }
0xb7: {  	v4 =	vld @!p0 [tilespmem:$0x13CC0]  }
0xb8: {  	[tilespmem:$0x13E00] =	vst @!p0 v0;
	v0 =	vld @!p0 [tilespmem:$0x13CD0]  }
0xb9: {  	[tilespmem:$0x13E10] =	vst @!p0 v1;
	v1 =	vld @!p0 [tilespmem:$0x13CE0]  }
0xba: {  	[tilespmem:$0x13E20] =	vst @!p0 v2;
	v2 =	vld @!p0 [tilespmem:$0x13CF0]  }
0xbb: {  	[tilespmem:$0x13E30] =	vst @!p0 v3  }
0xbc: {  	[tilespmem:$0x13E40] =	vst @!p0 v4  }
0xbd: {  	[tilespmem:$0x13E50] =	vst @!p0 v0  }
0xbe: {  	[tilespmem:$0x13E60] =	vst @!p0 v1  }
0xbf: {  	s29 =	simm.s32 @!p0 $0x13F00;
	s1 =	simm.s32 @!p0 $0x80;
	[tilespmem:$0x13E70] =	vst @!p0 v2  }
0xc0: {  	[tilespmem:s29], [sflag:$0x1] =	stream.indirect.gather @!p0 [hbm4b:s4+s1], $0x80, s30, s1, $0xb8;
	[tilespmem:$0x1BF00] =	vst v63  }
0xc1: {  	_ =	swait.ge [sflag:s25], $0x4000  }
0xc2: {  	[sflag:s25] =	ssyncset.done $0x0  }
0xc3: {  	[sflag:s25] =	ssyncadd.s32 $0xFFFFC000  }
0xc4: {  	[spmem:s2] =	stream.indirect.scatter.add.f32 [tilespmem:s22], [sflag:$0x3], $0x80, s26, s19, $0xb8;
	[tilespmem:$0x1BF00] =	vst v63  }
0xc5: {  	_ =	swait.ge [sflag:s17], $0x4000  }
0xc6: {  	s28 =	sadd.s32 $0x1, s28;
	[sflag:s17] =	ssyncset.done $0x0  }
0xc7: {  	p0 =	sne.s32 s28, s10;
	[sflag:s17] =	ssyncadd.s32 $0xFFFFC000  }
.Ltmp2:
0xc8: {  	[bflag:$0x0] =	sbarrier.arrive $0xFFFF;
	(pc) =	sbr.rel @p0 .LBB2_1-.Ltmp2, $4  }
0xc9: {  	[hbm:s9], [sflag:s6] =	dma.local [spmem:s16], $0x2780  }
0xca: {  	_ =	swait.ge [sflag:s17], $0x2780  }
0xcb: {  	[sflag:s17] =	ssyncset.done $0x0  }
0xcc: {  	[sflag:s17] =	ssyncadd.s32 $0xFFFFD880  }
0xcd: {  	_ =	sfence.sel $0x180000  }
0xce: {  	[bflag:$0x0] =	sbarrier.arrive $0xFFFF  }
0xcf: {  	_ =	strace $0x90000047  }
0xd0: {  	[bflag:$0x2] =	sbarrier.arrive $0xFFFF  }
0xd1: {  	p0 =	sne.s32 s0, $0x0;
	s0 =	rddreg [dreg:$0x2]  }
0xd2: {  	s0 =	sadd.s32 @!p0 $0x100000, s0  }
0xd3: {  	[sflag:s0] =	ssyncadd.tile.s32 @!p0 $0x1;
	_ =	shalt  }
.Lfunc_end2:
_tile_overlayer_lowered:
.L_overlay_start_2:
0xd4: {  	(tag) =	ssettag $0x2  }
0xd5: {  	s0 =	rddreg [dreg:$0x0];
	s2 =	stileid.u32  }
0xd6: {  	s1 =	rddreg [dreg:$0x1];
	p0 =	sne.s32 s2, $0x0  }
0xd7: {  	s3 =	rddreg [dreg:$0x2];
	[bflag:$0x3] =	sbarrier.arrive $0xFFFF;
	s2 =	simm.s32 @!p0 $0x1C03  }
0xd8: {  	[timem:s3], [sflag:s2] =	dma.local @!p0 [hbm:s0], s1  }
0xd9: {  	s0 =	simm.s32 @!p0 $0x3  }
0xda: {  	_ =	swait.ge @!p0 [sflag:s0], s1  }
0xdb: {  	s1 =	ssub.s32 @!p0 $0x0, s1;
	[sflag:s0] =	ssyncset.done @!p0 $0x0  }
0xdc: {  	[sflag:s0] =	ssyncadd.s32 @!p0 s1  }
0xdd: {  	[bflag:$0x3] =	sbarrier.arrive $0xFFFF  }
0xde: {  	_ =	shalt  }

</sc_bundles>
